<compile_context>
chip_gen: v7x
topology: tpu7x:2x2x1
jax: 0.10.2.dev20260603
libtpu: 0.0.44.dev20260713+nightly
codegen_flags: <defaults>
</compile_context>

<pallas_src>
import functools

import jax
import jax.numpy as jnp
from jax import lax
from jax.experimental import pallas as pl
from jax.experimental.pallas import tpu as pltpu
from jax.experimental.pallas import tpu_sc as plsc

_DIM = 64
_PAD = 128
_NBUF = 4


def _gather_body(x_hbm, emb_hbm, out_hbm, idx_v, rows_v,
                 sg0, sg1, sg2, sg3, so0, so1, so2, so3, *, seq, n_batches):
    wid = lax.axis_index("s") * 2 + lax.axis_index("c")
    b0 = wid * n_batches
    sem_g = (sg0, sg1, sg2, sg3)
    sem_o = (so0, so1, so2, so3)

    pltpu.sync_copy(x_hbm.at[pl.ds(b0 * seq, n_batches * seq)], idx_v)

    def fire_gather(g, b):
        pltpu.async_copy(
            emb_hbm.at[idx_v.at[pl.ds(g * seq, seq)]], rows_v.at[b], sem_g[b])

    def drain_gather(b):
        pltpu.make_async_copy(
            emb_hbm.at[idx_v.at[pl.ds(0, seq)]], rows_v.at[b], sem_g[b]).wait()

    def fire_write(g, b):
        pltpu.async_copy(rows_v.at[b], out_hbm.at[b0 + g], sem_o[b])

    def wait_write(b):
        pltpu.make_async_copy(rows_v.at[b], out_hbm.at[0], sem_o[b]).wait()

    n_groups = n_batches

    fire_gather(0, 0)
    fire_gather(1, 1)
    fire_gather(2, 2)
    drain_gather(0)
    fire_write(0, 0)
    fire_gather(3, 3)
    drain_gather(1)
    fire_write(1, 1)

    n_steady = ((n_groups - 4) // 4) * 4

    def body(i, carry):
        for r in range(4):
            g = 4 + 4 * i + r
            b = r
            wait_write(b)
            fire_gather(g, b)
            drain_gather((r + 2) % 4)
            fire_write(g - 2, (r + 2) % 4)
        return carry

    lax.fori_loop(0, n_steady // 4, body, 0)

    for g in range(4 + n_steady, n_groups):
        b = g % 4
        wait_write(b)
        fire_gather(g, b)
        drain_gather((b + 2) % 4)
        fire_write(g - 2, (b + 2) % 4)
    g_last = n_groups - 1
    for g in (g_last - 1, g_last):
        b = g % 4
        drain_gather(b)
        fire_write(g, b)
    for g in range(n_groups - 4, n_groups):
        wait_write(g % 4)


@functools.partial(jax.jit, static_argnames=("bsz", "seq"))
def _sc_gather(x_flat, emb_pad, bsz, seq):
    nw = 32
    n_batches = bsz // nw
    mesh = plsc.VectorSubcoreMesh(core_axis_name="c", subcore_axis_name="s")
    kfn = pl.kernel(
        functools.partial(_gather_body, seq=seq, n_batches=n_batches),
        mesh=mesh,
        out_type=jax.ShapeDtypeStruct((bsz, seq, _PAD), jnp.float32),
        scratch_types=[
            pltpu.VMEM((n_batches * seq,), jnp.int32),
            pltpu.VMEM((_NBUF, seq, _PAD), jnp.float32),
        ] + [pltpu.SemaphoreType.DMA] * 8,
        compiler_params=pltpu.CompilerParams(use_tc_tiling_on_sc=True),
    )
    return kfn(x_flat, emb_pad)


def kernel(x, embedding):
    bsz, seq = x.shape
    x_flat = x.reshape(bsz * seq).astype(jnp.int32)
    emb_pad = jnp.pad(embedding, ((0, 0), (0, _PAD - _DIM)))
    out_p = _sc_gather(x_flat, emb_pad, bsz, seq)
    return out_p[:, :, :_DIM]

# --- scband reference (transcript-rebuilt; emitter-appended) ---
"""Pipeline reference for scband-embedding-layer-37160057045681 (READ-ONLY COPY).

The authoritative reference and input builder live on the scoring server;
editing this copy changes nothing except your own understanding.
"""

import jax, jax.numpy as jnp
import numpy as np

VOCAB = 100000
DIM = 64
B = 4096
L = 200

def setup_inputs(seed: int = 0) -> dict:
    key = jax.random.key(seed)
    k1, k2 = jax.random.split(key)
    x = jax.random.randint(k1, (B, L), 0, VOCAB, dtype=jnp.int64 if jax.config.jax_enable_x64 else jnp.int32)
    # kaiming_uniform_ with a=sqrt(5) on (vocab, dim): fan_in = dim, gain = sqrt(2/(1+5)) = sqrt(1/3)
    gain = float(np.sqrt(2.0 / (1.0 + 5.0)))
    bound = gain * float(np.sqrt(3.0 / DIM))
    embedding = jax.random.uniform(k2, (VOCAB, DIM), dtype=jnp.float32, minval=-bound, maxval=bound)
    return {"x": x, "embedding": embedding}

def reference(x, embedding):
    # x.ndim == 2 path: plain gather / embedding lookup
    if x.ndim == 2:
        return jnp.take(embedding, x, axis=0)
    assert x.ndim == 3
    probs = jax.nn.softmax(x, axis=-1).astype(jnp.float32)
    out = jnp.einsum('blv,ve->ble', probs, embedding.astype(jnp.float32))
    return out.astype(x.dtype)

if __name__ == "__main__":
    import jax
    _d = setup_inputs()
    print(jax.jit(kernel)(*tuple(_d.values())))

</pallas_src>

<mosaic_0001>
#map = affine_map<(d0, d1) -> (0)>
#map1 = affine_map<(d0, d1) -> (0, 0)>
#map2 = affine_map<(d0, d1) -> (0, 0, 0)>
module attributes {stable_mosaic.version = 14 : i64} {
  func.func @_gather_body(%arg0: i32, %arg1: i32, %arg2: memref<819200xi32, #tpu.memory_space<hbm>>, %arg3: memref<100000x128xf32, #tpu.memory_space<hbm>>, %arg4: memref<4096x200x128xf32, #tpu.memory_space<hbm>>, %arg5: memref<25600xi32, #tpu.memory_space<vmem>>, %arg6: memref<4x200x128xf32, #tpu.memory_space<vmem>>, %arg7: memref<!tpu.dma_semaphore, #tpu.memory_space<semaphore_mem>>, %arg8: memref<!tpu.dma_semaphore, #tpu.memory_space<semaphore_mem>>, %arg9: memref<!tpu.dma_semaphore, #tpu.memory_space<semaphore_mem>>, %arg10: memref<!tpu.dma_semaphore, #tpu.memory_space<semaphore_mem>>, %arg11: memref<!tpu.dma_semaphore, #tpu.memory_space<semaphore_mem>>, %arg12: memref<!tpu.dma_semaphore, #tpu.memory_space<semaphore_mem>>, %arg13: memref<!tpu.dma_semaphore, #tpu.memory_space<semaphore_mem>>, %arg14: memref<!tpu.dma_semaphore, #tpu.memory_space<semaphore_mem>>) attributes {dimension_semantics = [#tpu.dimension_semantics<core_parallel>, #tpu.dimension_semantics<subcore_parallel>], iteration_bounds = array<i64: 2, 16>, scalar_prefetch = 0 : i64, scratch_operands = 10 : i64, tpu.core_type = #tpu.core_type<sc_vector_subcore>, window_params = [{transform_indices = #map}, {transform_indices = #map1}, {transform_indices = #map2}]} {
    %mul3A = arith.constant 2 : i32
    %mul3A_0 = arith.muli %arg1, %mul3A : i32
    %add3A = arith.addi %mul3A_0, %arg0 : i32
    %mul3A_1 = arith.constant 128 : i32
    %mul3A_2 = arith.muli %add3A, %mul3A_1 : i32
    %mul3A_3 = arith.constant 200 : i32
    %mul3A_4 = arith.muli %mul3A_2, %mul3A_3 : i32
    "tpu.region"() ({
      %run_scoped3A = tpu.sem_alloc : memref<!tpu.dma_semaphore, #tpu.memory_space<semaphore_mem>>
      %dma_start3A_236 = tpu.memref_slice %arg2[%mul3A_4] : memref<819200xi32, #tpu.memory_space<hbm>> -> memref<25600xi32, #tpu.memory_space<hbm>>
      %dma_start3A_237 = tpu.memref_slice %arg2[%mul3A_4] : memref<819200xi32, #tpu.memory_space<hbm>> -> memref<25600xi32, #tpu.memory_space<hbm>>
      tpu.enqueue_dma source(%dma_start3A_237 : memref<25600xi32, #tpu.memory_space<hbm>>) target(%arg5 : memref<25600xi32, #tpu.memory_space<vmem>>) target_semaphore(%run_scoped3A : memref<!tpu.dma_semaphore, #tpu.memory_space<semaphore_mem>>)
      %dma_wait3A_238 = tpu.memref_slice %arg2[%mul3A_4] : memref<819200xi32, #tpu.memory_space<hbm>> -> memref<25600xi32, #tpu.memory_space<hbm>>
      %dma_wait3A_239 = tpu.memref_slice %arg2[%mul3A_4] : memref<819200xi32, #tpu.memory_space<hbm>> -> memref<25600xi32, #tpu.memory_space<hbm>>
      tpu.wait_dma2 semaphore(%run_scoped3A : memref<!tpu.dma_semaphore, #tpu.memory_space<semaphore_mem>>) src(%dma_wait3A_239 : memref<25600xi32, #tpu.memory_space<hbm>>) dst(%arg5 : memref<25600xi32, #tpu.memory_space<vmem>>)
      tpu.yield
    }) : () -> ()
    %dma_start3A = arith.constant 0 : i32
    %dma_start3A_5 = arith.constant 0 : i32
    %dma_start3A_6 = arith.constant 0 : i32
    %dma_start3A_7 = tpu.memref_slice %arg6[%dma_start3A, %dma_start3A_5, %dma_start3A_6] : memref<4x200x128xf32, #tpu.memory_space<vmem>> -> memref<1x200x128xf32, #tpu.memory_space<vmem>>
    %dma_start3A_8 = tpu.memref_squeeze %dma_start3A_7 : memref<1x200x128xf32, #tpu.memory_space<vmem>> -> memref<200x128xf32, #tpu.memory_space<vmem>>
    %dma_start3A_9 = arith.constant 0 : i32
    %dma_start3A_10 = tpu.memref_slice %arg5[%dma_start3A_9] : memref<25600xi32, #tpu.memory_space<vmem>> -> memref<200xi32, #tpu.memory_space<vmem>>
    %dma_start3A_11 = arith.constant 0 : i32
    %dma_start3A_12 = arith.constant 0 : i32
    %dma_start3A_13 = tpu.memref_slice %arg3[%dma_start3A_11, %dma_start3A_12] : memref<100000x128xf32, #tpu.memory_space<hbm>> -> memref<100000x128xf32, #tpu.memory_space<hbm>>
    tpu.enqueue_indirect_dma source(%dma_start3A_13 : memref<100000x128xf32, #tpu.memory_space<hbm>>) target(%dma_start3A_8 : memref<200x128xf32, #tpu.memory_space<vmem>>) offsets(%dma_start3A_10 : memref<200xi32, #tpu.memory_space<vmem>>) semaphore(%arg7 : memref<!tpu.dma_semaphore, #tpu.memory_space<semaphore_mem>>)
    %dma_start3A_14 = arith.constant 1 : i32
    %dma_start3A_15 = arith.constant 0 : i32
    %dma_start3A_16 = arith.constant 0 : i32
    %dma_start3A_17 = tpu.memref_slice %arg6[%dma_start3A_14, %dma_start3A_15, %dma_start3A_16] : memref<4x200x128xf32, #tpu.memory_space<vmem>> -> memref<1x200x128xf32, #tpu.memory_space<vmem>>
    %dma_start3A_18 = tpu.memref_squeeze %dma_start3A_17 : memref<1x200x128xf32, #tpu.memory_space<vmem>> -> memref<200x128xf32, #tpu.memory_space<vmem>>
    %dma_start3A_19 = arith.constant 200 : i32
    %dma_start3A_20 = tpu.memref_slice %arg5[%dma_start3A_19] : memref<25600xi32, #tpu.memory_space<vmem>> -> memref<200xi32, #tpu.memory_space<vmem>>
    %dma_start3A_21 = arith.constant 0 : i32
    %dma_start3A_22 = arith.constant 0 : i32
    %dma_start3A_23 = tpu.memref_slice %arg3[%dma_start3A_21, %dma_start3A_22] : memref<100000x128xf32, #tpu.memory_space<hbm>> -> memref<100000x128xf32, #tpu.memory_space<hbm>>
    tpu.enqueue_indirect_dma source(%dma_start3A_23 : memref<100000x128xf32, #tpu.memory_space<hbm>>) target(%dma_start3A_18 : memref<200x128xf32, #tpu.memory_space<vmem>>) offsets(%dma_start3A_20 : memref<200xi32, #tpu.memory_space<vmem>>) semaphore(%arg8 : memref<!tpu.dma_semaphore, #tpu.memory_space<semaphore_mem>>)
    %dma_start3A_24 = arith.constant 2 : i32
    %dma_start3A_25 = arith.constant 0 : i32
    %dma_start3A_26 = arith.constant 0 : i32
    %dma_start3A_27 = tpu.memref_slice %arg6[%dma_start3A_24, %dma_start3A_25, %dma_start3A_26] : memref<4x200x128xf32, #tpu.memory_space<vmem>> -> memref<1x200x128xf32, #tpu.memory_space<vmem>>
    %dma_start3A_28 = tpu.memref_squeeze %dma_start3A_27 : memref<1x200x128xf32, #tpu.memory_space<vmem>> -> memref<200x128xf32, #tpu.memory_space<vmem>>
    %dma_start3A_29 = arith.constant 400 : i32
    %dma_start3A_30 = tpu.memref_slice %arg5[%dma_start3A_29] : memref<25600xi32, #tpu.memory_space<vmem>> -> memref<200xi32, #tpu.memory_space<vmem>>
    %dma_start3A_31 = arith.constant 0 : i32
    %dma_start3A_32 = arith.constant 0 : i32
    %dma_start3A_33 = tpu.memref_slice %arg3[%dma_start3A_31, %dma_start3A_32] : memref<100000x128xf32, #tpu.memory_space<hbm>> -> memref<100000x128xf32, #tpu.memory_space<hbm>>
    tpu.enqueue_indirect_dma source(%dma_start3A_33 : memref<100000x128xf32, #tpu.memory_space<hbm>>) target(%dma_start3A_28 : memref<200x128xf32, #tpu.memory_space<vmem>>) offsets(%dma_start3A_30 : memref<200xi32, #tpu.memory_space<vmem>>) semaphore(%arg9 : memref<!tpu.dma_semaphore, #tpu.memory_space<semaphore_mem>>)
    %dma_wait3A = arith.constant 0 : i32
    %dma_wait3A_34 = arith.constant 0 : i32
    %dma_wait3A_35 = arith.constant 0 : i32
    %dma_wait3A_36 = tpu.memref_slice %arg6[%dma_wait3A, %dma_wait3A_34, %dma_wait3A_35] : memref<4x200x128xf32, #tpu.memory_space<vmem>> -> memref<1x200x128xf32, #tpu.memory_space<vmem>>
    %dma_wait3A_37 = tpu.memref_squeeze %dma_wait3A_36 : memref<1x200x128xf32, #tpu.memory_space<vmem>> -> memref<200x128xf32, #tpu.memory_space<vmem>>
    %dma_wait3A_38 = arith.constant 0 : i32
    %dma_wait3A_39 = tpu.memref_slice %arg5[%dma_wait3A_38] : memref<25600xi32, #tpu.memory_space<vmem>> -> memref<200xi32, #tpu.memory_space<vmem>>
    %dma_wait3A_40 = arith.constant 0 : i32
    %dma_wait3A_41 = arith.constant 0 : i32
    %dma_wait3A_42 = tpu.memref_slice %arg3[%dma_wait3A_40, %dma_wait3A_41] : memref<100000x128xf32, #tpu.memory_space<hbm>> -> memref<100000x128xf32, #tpu.memory_space<hbm>>
    tpu.wait_indirect_dma semaphore(%arg7 : memref<!tpu.dma_semaphore, #tpu.memory_space<semaphore_mem>>) src(%dma_wait3A_42 : memref<100000x128xf32, #tpu.memory_space<hbm>>) dst(%dma_wait3A_37 : memref<200x128xf32, #tpu.memory_space<vmem>>)
    %add3A_43 = arith.constant 0 : i32
    %add3A_44 = arith.addi %mul3A_2, %add3A_43 : i32
    %dma_start3A_45 = arith.constant 0 : i32
    %dma_start3A_46 = arith.constant 0 : i32
    %dma_start3A_47 = arith.constant 0 : i32
    %dma_start3A_48 = tpu.memref_slice %arg6[%dma_start3A_45, %dma_start3A_46, %dma_start3A_47] : memref<4x200x128xf32, #tpu.memory_space<vmem>> -> memref<1x200x128xf32, #tpu.memory_space<vmem>>
    %dma_start3A_49 = tpu.memref_squeeze %dma_start3A_48 : memref<1x200x128xf32, #tpu.memory_space<vmem>> -> memref<200x128xf32, #tpu.memory_space<vmem>>
    %dma_start3A_50 = arith.constant 0 : i32
    %dma_start3A_51 = arith.constant 0 : i32
    %dma_start3A_52 = tpu.memref_slice %arg4[%add3A_44, %dma_start3A_50, %dma_start3A_51] : memref<4096x200x128xf32, #tpu.memory_space<hbm>> -> memref<1x200x128xf32, #tpu.memory_space<hbm>>
    %dma_start3A_53 = tpu.memref_squeeze %dma_start3A_52 : memref<1x200x128xf32, #tpu.memory_space<hbm>> -> memref<200x128xf32, #tpu.memory_space<hbm>>
    %dma_start3A_54 = arith.constant 0 : i32
    %dma_start3A_55 = arith.constant 0 : i32
    %dma_start3A_56 = tpu.memref_slice %arg4[%add3A_44, %dma_start3A_54, %dma_start3A_55] : memref<4096x200x128xf32, #tpu.memory_space<hbm>> -> memref<1x200x128xf32, #tpu.memory_space<hbm>>
    %dma_start3A_57 = tpu.memref_squeeze %dma_start3A_56 : memref<1x200x128xf32, #tpu.memory_space<hbm>> -> memref<200x128xf32, #tpu.memory_space<hbm>>
    %dma_start3A_58 = arith.constant 0 : i32
    %dma_start3A_59 = arith.constant 0 : i32
    %dma_start3A_60 = tpu.memref_slice %arg6[%dma_start3A_45, %dma_start3A_58, %dma_start3A_59] : memref<4x200x128xf32, #tpu.memory_space<vmem>> -> memref<1x200x128xf32, #tpu.memory_space<vmem>>
    %dma_start3A_61 = tpu.memref_squeeze %dma_start3A_60 : memref<1x200x128xf32, #tpu.memory_space<vmem>> -> memref<200x128xf32, #tpu.memory_space<vmem>>
    tpu.enqueue_dma source(%dma_start3A_61 : memref<200x128xf32, #tpu.memory_space<vmem>>) target(%dma_start3A_57 : memref<200x128xf32, #tpu.memory_space<hbm>>) target_semaphore(%arg11 : memref<!tpu.dma_semaphore, #tpu.memory_space<semaphore_mem>>)
    %dma_start3A_62 = arith.constant 3 : i32
    %dma_start3A_63 = arith.constant 0 : i32
    %dma_start3A_64 = arith.constant 0 : i32
    %dma_start3A_65 = tpu.memref_slice %arg6[%dma_start3A_62, %dma_start3A_63, %dma_start3A_64] : memref<4x200x128xf32, #tpu.memory_space<vmem>> -> memref<1x200x128xf32, #tpu.memory_space<vmem>>
    %dma_start3A_66 = tpu.memref_squeeze %dma_start3A_65 : memref<1x200x128xf32, #tpu.memory_space<vmem>> -> memref<200x128xf32, #tpu.memory_space<vmem>>
    %dma_start3A_67 = arith.constant 600 : i32
    %dma_start3A_68 = tpu.memref_slice %arg5[%dma_start3A_67] : memref<25600xi32, #tpu.memory_space<vmem>> -> memref<200xi32, #tpu.memory_space<vmem>>
    %dma_start3A_69 = arith.constant 0 : i32
    %dma_start3A_70 = arith.constant 0 : i32
    %dma_start3A_71 = tpu.memref_slice %arg3[%dma_start3A_69, %dma_start3A_70] : memref<100000x128xf32, #tpu.memory_space<hbm>> -> memref<100000x128xf32, #tpu.memory_space<hbm>>
    tpu.enqueue_indirect_dma source(%dma_start3A_71 : memref<100000x128xf32, #tpu.memory_space<hbm>>) target(%dma_start3A_66 : memref<200x128xf32, #tpu.memory_space<vmem>>) offsets(%dma_start3A_68 : memref<200xi32, #tpu.memory_space<vmem>>) semaphore(%arg10 : memref<!tpu.dma_semaphore, #tpu.memory_space<semaphore_mem>>)
    %dma_wait3A_72 = arith.constant 1 : i32
    %dma_wait3A_73 = arith.constant 0 : i32
    %dma_wait3A_74 = arith.constant 0 : i32
    %dma_wait3A_75 = tpu.memref_slice %arg6[%dma_wait3A_72, %dma_wait3A_73, %dma_wait3A_74] : memref<4x200x128xf32, #tpu.memory_space<vmem>> -> memref<1x200x128xf32, #tpu.memory_space<vmem>>
    %dma_wait3A_76 = tpu.memref_squeeze %dma_wait3A_75 : memref<1x200x128xf32, #tpu.memory_space<vmem>> -> memref<200x128xf32, #tpu.memory_space<vmem>>
    %dma_wait3A_77 = arith.constant 0 : i32
    %dma_wait3A_78 = tpu.memref_slice %arg5[%dma_wait3A_77] : memref<25600xi32, #tpu.memory_space<vmem>> -> memref<200xi32, #tpu.memory_space<vmem>>
    %dma_wait3A_79 = arith.constant 0 : i32
    %dma_wait3A_80 = arith.constant 0 : i32
    %dma_wait3A_81 = tpu.memref_slice %arg3[%dma_wait3A_79, %dma_wait3A_80] : memref<100000x128xf32, #tpu.memory_space<hbm>> -> memref<100000x128xf32, #tpu.memory_space<hbm>>
    tpu.wait_indirect_dma semaphore(%arg8 : memref<!tpu.dma_semaphore, #tpu.memory_space<semaphore_mem>>) src(%dma_wait3A_81 : memref<100000x128xf32, #tpu.memory_space<hbm>>) dst(%dma_wait3A_76 : memref<200x128xf32, #tpu.memory_space<vmem>>)
    %add3A_82 = arith.constant 1 : i32
    %add3A_83 = arith.addi %mul3A_2, %add3A_82 : i32
    %dma_start3A_84 = arith.constant 1 : i32
    %dma_start3A_85 = arith.constant 0 : i32
    %dma_start3A_86 = arith.constant 0 : i32
    %dma_start3A_87 = tpu.memref_slice %arg6[%dma_start3A_84, %dma_start3A_85, %dma_start3A_86] : memref<4x200x128xf32, #tpu.memory_space<vmem>> -> memref<1x200x128xf32, #tpu.memory_space<vmem>>
    %dma_start3A_88 = tpu.memref_squeeze %dma_start3A_87 : memref<1x200x128xf32, #tpu.memory_space<vmem>> -> memref<200x128xf32, #tpu.memory_space<vmem>>
    %dma_start3A_89 = arith.constant 0 : i32
    %dma_start3A_90 = arith.constant 0 : i32
    %dma_start3A_91 = tpu.memref_slice %arg4[%add3A_83, %dma_start3A_89, %dma_start3A_90] : memref<4096x200x128xf32, #tpu.memory_space<hbm>> -> memref<1x200x128xf32, #tpu.memory_space<hbm>>
    %dma_start3A_92 = tpu.memref_squeeze %dma_start3A_91 : memref<1x200x128xf32, #tpu.memory_space<hbm>> -> memref<200x128xf32, #tpu.memory_space<hbm>>
    %dma_start3A_93 = arith.constant 0 : i32
    %dma_start3A_94 = arith.constant 0 : i32
    %dma_start3A_95 = tpu.memref_slice %arg4[%add3A_83, %dma_start3A_93, %dma_start3A_94] : memref<4096x200x128xf32, #tpu.memory_space<hbm>> -> memref<1x200x128xf32, #tpu.memory_space<hbm>>
    %dma_start3A_96 = tpu.memref_squeeze %dma_start3A_95 : memref<1x200x128xf32, #tpu.memory_space<hbm>> -> memref<200x128xf32, #tpu.memory_space<hbm>>
    %dma_start3A_97 = arith.constant 0 : i32
    %dma_start3A_98 = arith.constant 0 : i32
    %dma_start3A_99 = tpu.memref_slice %arg6[%dma_start3A_84, %dma_start3A_97, %dma_start3A_98] : memref<4x200x128xf32, #tpu.memory_space<vmem>> -> memref<1x200x128xf32, #tpu.memory_space<vmem>>
    %dma_start3A_100 = tpu.memref_squeeze %dma_start3A_99 : memref<1x200x128xf32, #tpu.memory_space<vmem>> -> memref<200x128xf32, #tpu.memory_space<vmem>>
    tpu.enqueue_dma source(%dma_start3A_100 : memref<200x128xf32, #tpu.memory_space<vmem>>) target(%dma_start3A_96 : memref<200x128xf32, #tpu.memory_space<hbm>>) target_semaphore(%arg12 : memref<!tpu.dma_semaphore, #tpu.memory_space<semaphore_mem>>)
    %scan3A = arith.constant 0 : i32
    %scan3A_101 = arith.constant 0 : i32
    %scan3A_102 = arith.constant 31 : i32
    %scan3A_103 = arith.addi %scan3A_101, %scan3A_102 : i32
    %scan3A_104 = arith.constant 1 : i32
    scf.for %scan3A_236 = %scan3A_101 to %scan3A_103 step %scan3A_104  : i32 {
      %mul3A_237 = arith.constant 4 : i32
      %mul3A_238 = arith.muli %mul3A_237, %scan3A_236 : i32
      %add3A_239 = arith.constant 4 : i32
      %add3A_240 = arith.addi %add3A_239, %mul3A_238 : i32
      %add3A_241 = arith.constant 0 : i32
      %add3A_242 = arith.addi %add3A_240, %add3A_241 : i32
      %dma_wait3A_243 = arith.constant 0 : i32
      %dma_wait3A_244 = arith.constant 0 : i32
      %dma_wait3A_245 = arith.constant 0 : i32
      %dma_wait3A_246 = arith.constant 0 : i32
      %dma_wait3A_247 = tpu.memref_slice %arg6[%dma_wait3A_243, %dma_wait3A_245, %dma_wait3A_246] : memref<4x200x128xf32, #tpu.memory_space<vmem>> -> memref<1x200x128xf32, #tpu.memory_space<vmem>>
      %dma_wait3A_248 = tpu.memref_squeeze %dma_wait3A_247 : memref<1x200x128xf32, #tpu.memory_space<vmem>> -> memref<200x128xf32, #tpu.memory_space<vmem>>
      %dma_wait3A_249 = arith.constant 0 : i32
      %dma_wait3A_250 = arith.constant 0 : i32
      %dma_wait3A_251 = tpu.memref_slice %arg4[%dma_wait3A_244, %dma_wait3A_249, %dma_wait3A_250] : memref<4096x200x128xf32, #tpu.memory_space<hbm>> -> memref<1x200x128xf32, #tpu.memory_space<hbm>>
      %dma_wait3A_252 = tpu.memref_squeeze %dma_wait3A_251 : memref<1x200x128xf32, #tpu.memory_space<hbm>> -> memref<200x128xf32, #tpu.memory_space<hbm>>
      %dma_wait3A_253 = arith.constant 0 : i32
      %dma_wait3A_254 = arith.constant 0 : i32
      %dma_wait3A_255 = tpu.memref_slice %arg4[%dma_wait3A_244, %dma_wait3A_253, %dma_wait3A_254] : memref<4096x200x128xf32, #tpu.memory_space<hbm>> -> memref<1x200x128xf32, #tpu.memory_space<hbm>>
      %dma_wait3A_256 = tpu.memref_squeeze %dma_wait3A_255 : memref<1x200x128xf32, #tpu.memory_space<hbm>> -> memref<200x128xf32, #tpu.memory_space<hbm>>
      %dma_wait3A_257 = arith.constant 0 : i32
      %dma_wait3A_258 = arith.constant 0 : i32
      %dma_wait3A_259 = tpu.memref_slice %arg6[%dma_wait3A_243, %dma_wait3A_257, %dma_wait3A_258] : memref<4x200x128xf32, #tpu.memory_space<vmem>> -> memref<1x200x128xf32, #tpu.memory_space<vmem>>
      %dma_wait3A_260 = tpu.memref_squeeze %dma_wait3A_259 : memref<1x200x128xf32, #tpu.memory_space<vmem>> -> memref<200x128xf32, #tpu.memory_space<vmem>>
      tpu.wait_dma2 semaphore(%arg11 : memref<!tpu.dma_semaphore, #tpu.memory_space<semaphore_mem>>) src(%dma_wait3A_260 : memref<200x128xf32, #tpu.memory_space<vmem>>) dst(%dma_wait3A_256 : memref<200x128xf32, #tpu.memory_space<hbm>>)
      %mul3A_261 = arith.constant 200 : i32
      %mul3A_262 = arith.muli %add3A_242, %mul3A_261 : i32
      %dma_start3A_263 = arith.constant 0 : i32
      %dma_start3A_264 = arith.constant 0 : i32
      %dma_start3A_265 = arith.constant 0 : i32
      %dma_start3A_266 = tpu.memref_slice %arg6[%dma_start3A_263, %dma_start3A_264, %dma_start3A_265] : memref<4x200x128xf32, #tpu.memory_space<vmem>> -> memref<1x200x128xf32, #tpu.memory_space<vmem>>
      %dma_start3A_267 = tpu.memref_squeeze %dma_start3A_266 : memref<1x200x128xf32, #tpu.memory_space<vmem>> -> memref<200x128xf32, #tpu.memory_space<vmem>>
      %dma_start3A_268 = tpu.memref_slice %arg5[%mul3A_262] : memref<25600xi32, #tpu.memory_space<vmem>> -> memref<200xi32, #tpu.memory_space<vmem>>
      %dma_start3A_269 = arith.constant 0 : i32
      %dma_start3A_270 = arith.constant 0 : i32
      %dma_start3A_271 = tpu.memref_slice %arg3[%dma_start3A_269, %dma_start3A_270] : memref<100000x128xf32, #tpu.memory_space<hbm>> -> memref<100000x128xf32, #tpu.memory_space<hbm>>
      tpu.enqueue_indirect_dma source(%dma_start3A_271 : memref<100000x128xf32, #tpu.memory_space<hbm>>) target(%dma_start3A_267 : memref<200x128xf32, #tpu.memory_space<vmem>>) offsets(%dma_start3A_268 : memref<200xi32, #tpu.memory_space<vmem>>) semaphore(%arg7 : memref<!tpu.dma_semaphore, #tpu.memory_space<semaphore_mem>>)
      %dma_wait3A_272 = arith.constant 2 : i32
      %dma_wait3A_273 = arith.constant 0 : i32
      %dma_wait3A_274 = arith.constant 0 : i32
      %dma_wait3A_275 = tpu.memref_slice %arg6[%dma_wait3A_272, %dma_wait3A_273, %dma_wait3A_274] : memref<4x200x128xf32, #tpu.memory_space<vmem>> -> memref<1x200x128xf32, #tpu.memory_space<vmem>>
      %dma_wait3A_276 = tpu.memref_squeeze %dma_wait3A_275 : memref<1x200x128xf32, #tpu.memory_space<vmem>> -> memref<200x128xf32, #tpu.memory_space<vmem>>
      %dma_wait3A_277 = arith.constant 0 : i32
      %dma_wait3A_278 = tpu.memref_slice %arg5[%dma_wait3A_277] : memref<25600xi32, #tpu.memory_space<vmem>> -> memref<200xi32, #tpu.memory_space<vmem>>
      %dma_wait3A_279 = arith.constant 0 : i32
      %dma_wait3A_280 = arith.constant 0 : i32
      %dma_wait3A_281 = tpu.memref_slice %arg3[%dma_wait3A_279, %dma_wait3A_280] : memref<100000x128xf32, #tpu.memory_space<hbm>> -> memref<100000x128xf32, #tpu.memory_space<hbm>>
      tpu.wait_indirect_dma semaphore(%arg9 : memref<!tpu.dma_semaphore, #tpu.memory_space<semaphore_mem>>) src(%dma_wait3A_281 : memref<100000x128xf32, #tpu.memory_space<hbm>>) dst(%dma_wait3A_276 : memref<200x128xf32, #tpu.memory_space<vmem>>)
      %sub3A = arith.constant 2 : i32
      %sub3A_282 = arith.subi %add3A_242, %sub3A : i32
      %add3A_283 = arith.addi %mul3A_2, %sub3A_282 : i32
      %dma_start3A_284 = arith.constant 2 : i32
      %dma_start3A_285 = arith.constant 0 : i32
      %dma_start3A_286 = arith.constant 0 : i32
      %dma_start3A_287 = tpu.memref_slice %arg6[%dma_start3A_284, %dma_start3A_285, %dma_start3A_286] : memref<4x200x128xf32, #tpu.memory_space<vmem>> -> memref<1x200x128xf32, #tpu.memory_space<vmem>>
      %dma_start3A_288 = tpu.memref_squeeze %dma_start3A_287 : memref<1x200x128xf32, #tpu.memory_space<vmem>> -> memref<200x128xf32, #tpu.memory_space<vmem>>
      %dma_start3A_289 = arith.constant 0 : i32
      %dma_start3A_290 = arith.constant 0 : i32
      %dma_start3A_291 = tpu.memref_slice %arg4[%add3A_283, %dma_start3A_289, %dma_start3A_290] : memref<4096x200x128xf32, #tpu.memory_space<hbm>> -> memref<1x200x128xf32, #tpu.memory_space<hbm>>
      %dma_start3A_292 = tpu.memref_squeeze %dma_start3A_291 : memref<1x200x128xf32, #tpu.memory_space<hbm>> -> memref<200x128xf32, #tpu.memory_space<hbm>>
      %dma_start3A_293 = arith.constant 0 : i32
      %dma_start3A_294 = arith.constant 0 : i32
      %dma_start3A_295 = tpu.memref_slice %arg4[%add3A_283, %dma_start3A_293, %dma_start3A_294] : memref<4096x200x128xf32, #tpu.memory_space<hbm>> -> memref<1x200x128xf32, #tpu.memory_space<hbm>>
      %dma_start3A_296 = tpu.memref_squeeze %dma_start3A_295 : memref<1x200x128xf32, #tpu.memory_space<hbm>> -> memref<200x128xf32, #tpu.memory_space<hbm>>
      %dma_start3A_297 = arith.constant 0 : i32
      %dma_start3A_298 = arith.constant 0 : i32
      %dma_start3A_299 = tpu.memref_slice %arg6[%dma_start3A_284, %dma_start3A_297, %dma_start3A_298] : memref<4x200x128xf32, #tpu.memory_space<vmem>> -> memref<1x200x128xf32, #tpu.memory_space<vmem>>
      %dma_start3A_300 = tpu.memref_squeeze %dma_start3A_299 : memref<1x200x128xf32, #tpu.memory_space<vmem>> -> memref<200x128xf32, #tpu.memory_space<vmem>>
      tpu.enqueue_dma source(%dma_start3A_300 : memref<200x128xf32, #tpu.memory_space<vmem>>) target(%dma_start3A_296 : memref<200x128xf32, #tpu.memory_space<hbm>>) target_semaphore(%arg13 : memref<!tpu.dma_semaphore, #tpu.memory_space<semaphore_mem>>)
      %mul3A_301 = arith.constant 4 : i32
      %mul3A_302 = arith.muli %mul3A_301, %scan3A_236 : i32
      %add3A_303 = arith.constant 4 : i32
      %add3A_304 = arith.addi %add3A_303, %mul3A_302 : i32
      %add3A_305 = arith.constant 1 : i32
      %add3A_306 = arith.addi %add3A_304, %add3A_305 : i32
      %dma_wait3A_307 = arith.constant 1 : i32
      %dma_wait3A_308 = arith.constant 0 : i32
      %dma_wait3A_309 = arith.constant 0 : i32
      %dma_wait3A_310 = arith.constant 0 : i32
      %dma_wait3A_311 = tpu.memref_slice %arg6[%dma_wait3A_307, %dma_wait3A_309, %dma_wait3A_310] : memref<4x200x128xf32, #tpu.memory_space<vmem>> -> memref<1x200x128xf32, #tpu.memory_space<vmem>>
      %dma_wait3A_312 = tpu.memref_squeeze %dma_wait3A_311 : memref<1x200x128xf32, #tpu.memory_space<vmem>> -> memref<200x128xf32, #tpu.memory_space<vmem>>
      %dma_wait3A_313 = arith.constant 0 : i32
      %dma_wait3A_314 = arith.constant 0 : i32
      %dma_wait3A_315 = tpu.memref_slice %arg4[%dma_wait3A_308, %dma_wait3A_313, %dma_wait3A_314] : memref<4096x200x128xf32, #tpu.memory_space<hbm>> -> memref<1x200x128xf32, #tpu.memory_space<hbm>>
      %dma_wait3A_316 = tpu.memref_squeeze %dma_wait3A_315 : memref<1x200x128xf32, #tpu.memory_space<hbm>> -> memref<200x128xf32, #tpu.memory_space<hbm>>
      %dma_wait3A_317 = arith.constant 0 : i32
      %dma_wait3A_318 = arith.constant 0 : i32
      %dma_wait3A_319 = tpu.memref_slice %arg4[%dma_wait3A_308, %dma_wait3A_317, %dma_wait3A_318] : memref<4096x200x128xf32, #tpu.memory_space<hbm>> -> memref<1x200x128xf32, #tpu.memory_space<hbm>>
      %dma_wait3A_320 = tpu.memref_squeeze %dma_wait3A_319 : memref<1x200x128xf32, #tpu.memory_space<hbm>> -> memref<200x128xf32, #tpu.memory_space<hbm>>
      %dma_wait3A_321 = arith.constant 0 : i32
      %dma_wait3A_322 = arith.constant 0 : i32
      %dma_wait3A_323 = tpu.memref_slice %arg6[%dma_wait3A_307, %dma_wait3A_321, %dma_wait3A_322] : memref<4x200x128xf32, #tpu.memory_space<vmem>> -> memref<1x200x128xf32, #tpu.memory_space<vmem>>
      %dma_wait3A_324 = tpu.memref_squeeze %dma_wait3A_323 : memref<1x200x128xf32, #tpu.memory_space<vmem>> -> memref<200x128xf32, #tpu.memory_space<vmem>>
      tpu.wait_dma2 semaphore(%arg12 : memref<!tpu.dma_semaphore, #tpu.memory_space<semaphore_mem>>) src(%dma_wait3A_324 : memref<200x128xf32, #tpu.memory_space<vmem>>) dst(%dma_wait3A_320 : memref<200x128xf32, #tpu.memory_space<hbm>>)
      %mul3A_325 = arith.constant 200 : i32
      %mul3A_326 = arith.muli %add3A_306, %mul3A_325 : i32
      %dma_start3A_327 = arith.constant 1 : i32
      %dma_start3A_328 = arith.constant 0 : i32
      %dma_start3A_329 = arith.constant 0 : i32
      %dma_start3A_330 = tpu.memref_slice %arg6[%dma_start3A_327, %dma_start3A_328, %dma_start3A_329] : memref<4x200x128xf32, #tpu.memory_space<vmem>> -> memref<1x200x128xf32, #tpu.memory_space<vmem>>
      %dma_start3A_331 = tpu.memref_squeeze %dma_start3A_330 : memref<1x200x128xf32, #tpu.memory_space<vmem>> -> memref<200x128xf32, #tpu.memory_space<vmem>>
      %dma_start3A_332 = tpu.memref_slice %arg5[%mul3A_326] : memref<25600xi32, #tpu.memory_space<vmem>> -> memref<200xi32, #tpu.memory_space<vmem>>
      %dma_start3A_333 = arith.constant 0 : i32
      %dma_start3A_334 = arith.constant 0 : i32
      %dma_start3A_335 = tpu.memref_slice %arg3[%dma_start3A_333, %dma_start3A_334] : memref<100000x128xf32, #tpu.memory_space<hbm>> -> memref<100000x128xf32, #tpu.memory_space<hbm>>
      tpu.enqueue_indirect_dma source(%dma_start3A_335 : memref<100000x128xf32, #tpu.memory_space<hbm>>) target(%dma_start3A_331 : memref<200x128xf32, #tpu.memory_space<vmem>>) offsets(%dma_start3A_332 : memref<200xi32, #tpu.memory_space<vmem>>) semaphore(%arg8 : memref<!tpu.dma_semaphore, #tpu.memory_space<semaphore_mem>>)
      %dma_wait3A_336 = arith.constant 3 : i32
      %dma_wait3A_337 = arith.constant 0 : i32
      %dma_wait3A_338 = arith.constant 0 : i32
      %dma_wait3A_339 = tpu.memref_slice %arg6[%dma_wait3A_336, %dma_wait3A_337, %dma_wait3A_338] : memref<4x200x128xf32, #tpu.memory_space<vmem>> -> memref<1x200x128xf32, #tpu.memory_space<vmem>>
      %dma_wait3A_340 = tpu.memref_squeeze %dma_wait3A_339 : memref<1x200x128xf32, #tpu.memory_space<vmem>> -> memref<200x128xf32, #tpu.memory_space<vmem>>
      %dma_wait3A_341 = arith.constant 0 : i32
      %dma_wait3A_342 = tpu.memref_slice %arg5[%dma_wait3A_341] : memref<25600xi32, #tpu.memory_space<vmem>> -> memref<200xi32, #tpu.memory_space<vmem>>
      %dma_wait3A_343 = arith.constant 0 : i32
      %dma_wait3A_344 = arith.constant 0 : i32
      %dma_wait3A_345 = tpu.memref_slice %arg3[%dma_wait3A_343, %dma_wait3A_344] : memref<100000x128xf32, #tpu.memory_space<hbm>> -> memref<100000x128xf32, #tpu.memory_space<hbm>>
      tpu.wait_indirect_dma semaphore(%arg10 : memref<!tpu.dma_semaphore, #tpu.memory_space<semaphore_mem>>) src(%dma_wait3A_345 : memref<100000x128xf32, #tpu.memory_space<hbm>>) dst(%dma_wait3A_340 : memref<200x128xf32, #tpu.memory_space<vmem>>)
      %sub3A_346 = arith.constant 2 : i32
      %sub3A_347 = arith.subi %add3A_306, %sub3A_346 : i32
      %add3A_348 = arith.addi %mul3A_2, %sub3A_347 : i32
      %dma_start3A_349 = arith.constant 3 : i32
      %dma_start3A_350 = arith.constant 0 : i32
      %dma_start3A_351 = arith.constant 0 : i32
      %dma_start3A_352 = tpu.memref_slice %arg6[%dma_start3A_349, %dma_start3A_350, %dma_start3A_351] : memref<4x200x128xf32, #tpu.memory_space<vmem>> -> memref<1x200x128xf32, #tpu.memory_space<vmem>>
      %dma_start3A_353 = tpu.memref_squeeze %dma_start3A_352 : memref<1x200x128xf32, #tpu.memory_space<vmem>> -> memref<200x128xf32, #tpu.memory_space<vmem>>
      %dma_start3A_354 = arith.constant 0 : i32
      %dma_start3A_355 = arith.constant 0 : i32
      %dma_start3A_356 = tpu.memref_slice %arg4[%add3A_348, %dma_start3A_354, %dma_start3A_355] : memref<4096x200x128xf32, #tpu.memory_space<hbm>> -> memref<1x200x128xf32, #tpu.memory_space<hbm>>
      %dma_start3A_357 = tpu.memref_squeeze %dma_start3A_356 : memref<1x200x128xf32, #tpu.memory_space<hbm>> -> memref<200x128xf32, #tpu.memory_space<hbm>>
      %dma_start3A_358 = arith.constant 0 : i32
      %dma_start3A_359 = arith.constant 0 : i32
      %dma_start3A_360 = tpu.memref_slice %arg4[%add3A_348, %dma_start3A_358, %dma_start3A_359] : memref<4096x200x128xf32, #tpu.memory_space<hbm>> -> memref<1x200x128xf32, #tpu.memory_space<hbm>>
      %dma_start3A_361 = tpu.memref_squeeze %dma_start3A_360 : memref<1x200x128xf32, #tpu.memory_space<hbm>> -> memref<200x128xf32, #tpu.memory_space<hbm>>
      %dma_start3A_362 = arith.constant 0 : i32
      %dma_start3A_363 = arith.constant 0 : i32
      %dma_start3A_364 = tpu.memref_slice %arg6[%dma_start3A_349, %dma_start3A_362, %dma_start3A_363] : memref<4x200x128xf32, #tpu.memory_space<vmem>> -> memref<1x200x128xf32, #tpu.memory_space<vmem>>
      %dma_start3A_365 = tpu.memref_squeeze %dma_start3A_364 : memref<1x200x128xf32, #tpu.memory_space<vmem>> -> memref<200x128xf32, #tpu.memory_space<vmem>>
      tpu.enqueue_dma source(%dma_start3A_365 : memref<200x128xf32, #tpu.memory_space<vmem>>) target(%dma_start3A_361 : memref<200x128xf32, #tpu.memory_space<hbm>>) target_semaphore(%arg14 : memref<!tpu.dma_semaphore, #tpu.memory_space<semaphore_mem>>)
      %mul3A_366 = arith.constant 4 : i32
      %mul3A_367 = arith.muli %mul3A_366, %scan3A_236 : i32
      %add3A_368 = arith.constant 4 : i32
      %add3A_369 = arith.addi %add3A_368, %mul3A_367 : i32
      %add3A_370 = arith.constant 2 : i32
      %add3A_371 = arith.addi %add3A_369, %add3A_370 : i32
      %dma_wait3A_372 = arith.constant 2 : i32
      %dma_wait3A_373 = arith.constant 0 : i32
      %dma_wait3A_374 = arith.constant 0 : i32
      %dma_wait3A_375 = arith.constant 0 : i32
      %dma_wait3A_376 = tpu.memref_slice %arg6[%dma_wait3A_372, %dma_wait3A_374, %dma_wait3A_375] : memref<4x200x128xf32, #tpu.memory_space<vmem>> -> memref<1x200x128xf32, #tpu.memory_space<vmem>>
      %dma_wait3A_377 = tpu.memref_squeeze %dma_wait3A_376 : memref<1x200x128xf32, #tpu.memory_space<vmem>> -> memref<200x128xf32, #tpu.memory_space<vmem>>
      %dma_wait3A_378 = arith.constant 0 : i32
      %dma_wait3A_379 = arith.constant 0 : i32
      %dma_wait3A_380 = tpu.memref_slice %arg4[%dma_wait3A_373, %dma_wait3A_378, %dma_wait3A_379] : memref<4096x200x128xf32, #tpu.memory_space<hbm>> -> memref<1x200x128xf32, #tpu.memory_space<hbm>>
      %dma_wait3A_381 = tpu.memref_squeeze %dma_wait3A_380 : memref<1x200x128xf32, #tpu.memory_space<hbm>> -> memref<200x128xf32, #tpu.memory_space<hbm>>
      %dma_wait3A_382 = arith.constant 0 : i32
      %dma_wait3A_383 = arith.constant 0 : i32
      %dma_wait3A_384 = tpu.memref_slice %arg4[%dma_wait3A_373, %dma_wait3A_382, %dma_wait3A_383] : memref<4096x200x128xf32, #tpu.memory_space<hbm>> -> memref<1x200x128xf32, #tpu.memory_space<hbm>>
      %dma_wait3A_385 = tpu.memref_squeeze %dma_wait3A_384 : memref<1x200x128xf32, #tpu.memory_space<hbm>> -> memref<200x128xf32, #tpu.memory_space<hbm>>
      %dma_wait3A_386 = arith.constant 0 : i32
      %dma_wait3A_387 = arith.constant 0 : i32
      %dma_wait3A_388 = tpu.memref_slice %arg6[%dma_wait3A_372, %dma_wait3A_386, %dma_wait3A_387] : memref<4x200x128xf32, #tpu.memory_space<vmem>> -> memref<1x200x128xf32, #tpu.memory_space<vmem>>
      %dma_wait3A_389 = tpu.memref_squeeze %dma_wait3A_388 : memref<1x200x128xf32, #tpu.memory_space<vmem>> -> memref<200x128xf32, #tpu.memory_space<vmem>>
      tpu.wait_dma2 semaphore(%arg13 : memref<!tpu.dma_semaphore, #tpu.memory_space<semaphore_mem>>) src(%dma_wait3A_389 : memref<200x128xf32, #tpu.memory_space<vmem>>) dst(%dma_wait3A_385 : memref<200x128xf32, #tpu.memory_space<hbm>>)
      %mul3A_390 = arith.constant 200 : i32
      %mul3A_391 = arith.muli %add3A_371, %mul3A_390 : i32
      %dma_start3A_392 = arith.constant 2 : i32
      %dma_start3A_393 = arith.constant 0 : i32
      %dma_start3A_394 = arith.constant 0 : i32
      %dma_start3A_395 = tpu.memref_slice %arg6[%dma_start3A_392, %dma_start3A_393, %dma_start3A_394] : memref<4x200x128xf32, #tpu.memory_space<vmem>> -> memref<1x200x128xf32, #tpu.memory_space<vmem>>
      %dma_start3A_396 = tpu.memref_squeeze %dma_start3A_395 : memref<1x200x128xf32, #tpu.memory_space<vmem>> -> memref<200x128xf32, #tpu.memory_space<vmem>>
      %dma_start3A_397 = tpu.memref_slice %arg5[%mul3A_391] : memref<25600xi32, #tpu.memory_space<vmem>> -> memref<200xi32, #tpu.memory_space<vmem>>
      %dma_start3A_398 = arith.constant 0 : i32
      %dma_start3A_399 = arith.constant 0 : i32
      %dma_start3A_400 = tpu.memref_slice %arg3[%dma_start3A_398, %dma_start3A_399] : memref<100000x128xf32, #tpu.memory_space<hbm>> -> memref<100000x128xf32, #tpu.memory_space<hbm>>
      tpu.enqueue_indirect_dma source(%dma_start3A_400 : memref<100000x128xf32, #tpu.memory_space<hbm>>) target(%dma_start3A_396 : memref<200x128xf32, #tpu.memory_space<vmem>>) offsets(%dma_start3A_397 : memref<200xi32, #tpu.memory_space<vmem>>) semaphore(%arg9 : memref<!tpu.dma_semaphore, #tpu.memory_space<semaphore_mem>>)
      %dma_wait3A_401 = arith.constant 0 : i32
      %dma_wait3A_402 = arith.constant 0 : i32
      %dma_wait3A_403 = arith.constant 0 : i32
      %dma_wait3A_404 = tpu.memref_slice %arg6[%dma_wait3A_401, %dma_wait3A_402, %dma_wait3A_403] : memref<4x200x128xf32, #tpu.memory_space<vmem>> -> memref<1x200x128xf32, #tpu.memory_space<vmem>>
      %dma_wait3A_405 = tpu.memref_squeeze %dma_wait3A_404 : memref<1x200x128xf32, #tpu.memory_space<vmem>> -> memref<200x128xf32, #tpu.memory_space<vmem>>
      %dma_wait3A_406 = arith.constant 0 : i32
      %dma_wait3A_407 = tpu.memref_slice %arg5[%dma_wait3A_406] : memref<25600xi32, #tpu.memory_space<vmem>> -> memref<200xi32, #tpu.memory_space<vmem>>
      %dma_wait3A_408 = arith.constant 0 : i32
      %dma_wait3A_409 = arith.constant 0 : i32
      %dma_wait3A_410 = tpu.memref_slice %arg3[%dma_wait3A_408, %dma_wait3A_409] : memref<100000x128xf32, #tpu.memory_space<hbm>> -> memref<100000x128xf32, #tpu.memory_space<hbm>>
      tpu.wait_indirect_dma semaphore(%arg7 : memref<!tpu.dma_semaphore, #tpu.memory_space<semaphore_mem>>) src(%dma_wait3A_410 : memref<100000x128xf32, #tpu.memory_space<hbm>>) dst(%dma_wait3A_405 : memref<200x128xf32, #tpu.memory_space<vmem>>)
      %sub3A_411 = arith.constant 2 : i32
      %sub3A_412 = arith.subi %add3A_371, %sub3A_411 : i32
      %add3A_413 = arith.addi %mul3A_2, %sub3A_412 : i32
      %dma_start3A_414 = arith.constant 0 : i32
      %dma_start3A_415 = arith.constant 0 : i32
      %dma_start3A_416 = arith.constant 0 : i32
      %dma_start3A_417 = tpu.memref_slice %arg6[%dma_start3A_414, %dma_start3A_415, %dma_start3A_416] : memref<4x200x128xf32, #tpu.memory_space<vmem>> -> memref<1x200x128xf32, #tpu.memory_space<vmem>>
      %dma_start3A_418 = tpu.memref_squeeze %dma_start3A_417 : memref<1x200x128xf32, #tpu.memory_space<vmem>> -> memref<200x128xf32, #tpu.memory_space<vmem>>
      %dma_start3A_419 = arith.constant 0 : i32
      %dma_start3A_420 = arith.constant 0 : i32
      %dma_start3A_421 = tpu.memref_slice %arg4[%add3A_413, %dma_start3A_419, %dma_start3A_420] : memref<4096x200x128xf32, #tpu.memory_space<hbm>> -> memref<1x200x128xf32, #tpu.memory_space<hbm>>
      %dma_start3A_422 = tpu.memref_squeeze %dma_start3A_421 : memref<1x200x128xf32, #tpu.memory_space<hbm>> -> memref<200x128xf32, #tpu.memory_space<hbm>>
      %dma_start3A_423 = arith.constant 0 : i32
      %dma_start3A_424 = arith.constant 0 : i32
      %dma_start3A_425 = tpu.memref_slice %arg4[%add3A_413, %dma_start3A_423, %dma_start3A_424] : memref<4096x200x128xf32, #tpu.memory_space<hbm>> -> memref<1x200x128xf32, #tpu.memory_space<hbm>>
      %dma_start3A_426 = tpu.memref_squeeze %dma_start3A_425 : memref<1x200x128xf32, #tpu.memory_space<hbm>> -> memref<200x128xf32, #tpu.memory_space<hbm>>
      %dma_start3A_427 = arith.constant 0 : i32
      %dma_start3A_428 = arith.constant 0 : i32
      %dma_start3A_429 = tpu.memref_slice %arg6[%dma_start3A_414, %dma_start3A_427, %dma_start3A_428] : memref<4x200x128xf32, #tpu.memory_space<vmem>> -> memref<1x200x128xf32, #tpu.memory_space<vmem>>
      %dma_start3A_430 = tpu.memref_squeeze %dma_start3A_429 : memref<1x200x128xf32, #tpu.memory_space<vmem>> -> memref<200x128xf32, #tpu.memory_space<vmem>>
      tpu.enqueue_dma source(%dma_start3A_430 : memref<200x128xf32, #tpu.memory_space<vmem>>) target(%dma_start3A_426 : memref<200x128xf32, #tpu.memory_space<hbm>>) target_semaphore(%arg11 : memref<!tpu.dma_semaphore, #tpu.memory_space<semaphore_mem>>)
      %mul3A_431 = arith.constant 4 : i32
      %mul3A_432 = arith.muli %mul3A_431, %scan3A_236 : i32
      %add3A_433 = arith.constant 4 : i32
      %add3A_434 = arith.addi %add3A_433, %mul3A_432 : i32
      %add3A_435 = arith.constant 3 : i32
      %add3A_436 = arith.addi %add3A_434, %add3A_435 : i32
      %dma_wait3A_437 = arith.constant 3 : i32
      %dma_wait3A_438 = arith.constant 0 : i32
      %dma_wait3A_439 = arith.constant 0 : i32
      %dma_wait3A_440 = arith.constant 0 : i32
      %dma_wait3A_441 = tpu.memref_slice %arg6[%dma_wait3A_437, %dma_wait3A_439, %dma_wait3A_440] : memref<4x200x128xf32, #tpu.memory_space<vmem>> -> memref<1x200x128xf32, #tpu.memory_space<vmem>>
      %dma_wait3A_442 = tpu.memref_squeeze %dma_wait3A_441 : memref<1x200x128xf32, #tpu.memory_space<vmem>> -> memref<200x128xf32, #tpu.memory_space<vmem>>
      %dma_wait3A_443 = arith.constant 0 : i32
      %dma_wait3A_444 = arith.constant 0 : i32
      %dma_wait3A_445 = tpu.memref_slice %arg4[%dma_wait3A_438, %dma_wait3A_443, %dma_wait3A_444] : memref<4096x200x128xf32, #tpu.memory_space<hbm>> -> memref<1x200x128xf32, #tpu.memory_space<hbm>>
      %dma_wait3A_446 = tpu.memref_squeeze %dma_wait3A_445 : memref<1x200x128xf32, #tpu.memory_space<hbm>> -> memref<200x128xf32, #tpu.memory_space<hbm>>
      %dma_wait3A_447 = arith.constant 0 : i32
      %dma_wait3A_448 = arith.constant 0 : i32
      %dma_wait3A_449 = tpu.memref_slice %arg4[%dma_wait3A_438, %dma_wait3A_447, %dma_wait3A_448] : memref<4096x200x128xf32, #tpu.memory_space<hbm>> -> memref<1x200x128xf32, #tpu.memory_space<hbm>>
      %dma_wait3A_450 = tpu.memref_squeeze %dma_wait3A_449 : memref<1x200x128xf32, #tpu.memory_space<hbm>> -> memref<200x128xf32, #tpu.memory_space<hbm>>
      %dma_wait3A_451 = arith.constant 0 : i32
      %dma_wait3A_452 = arith.constant 0 : i32
      %dma_wait3A_453 = tpu.memref_slice %arg6[%dma_wait3A_437, %dma_wait3A_451, %dma_wait3A_452] : memref<4x200x128xf32, #tpu.memory_space<vmem>> -> memref<1x200x128xf32, #tpu.memory_space<vmem>>
      %dma_wait3A_454 = tpu.memref_squeeze %dma_wait3A_453 : memref<1x200x128xf32, #tpu.memory_space<vmem>> -> memref<200x128xf32, #tpu.memory_space<vmem>>
      tpu.wait_dma2 semaphore(%arg14 : memref<!tpu.dma_semaphore, #tpu.memory_space<semaphore_mem>>) src(%dma_wait3A_454 : memref<200x128xf32, #tpu.memory_space<vmem>>) dst(%dma_wait3A_450 : memref<200x128xf32, #tpu.memory_space<hbm>>)
      %mul3A_455 = arith.constant 200 : i32
      %mul3A_456 = arith.muli %add3A_436, %mul3A_455 : i32
      %dma_start3A_457 = arith.constant 3 : i32
      %dma_start3A_458 = arith.constant 0 : i32
      %dma_start3A_459 = arith.constant 0 : i32
      %dma_start3A_460 = tpu.memref_slice %arg6[%dma_start3A_457, %dma_start3A_458, %dma_start3A_459] : memref<4x200x128xf32, #tpu.memory_space<vmem>> -> memref<1x200x128xf32, #tpu.memory_space<vmem>>
      %dma_start3A_461 = tpu.memref_squeeze %dma_start3A_460 : memref<1x200x128xf32, #tpu.memory_space<vmem>> -> memref<200x128xf32, #tpu.memory_space<vmem>>
      %dma_start3A_462 = tpu.memref_slice %arg5[%mul3A_456] : memref<25600xi32, #tpu.memory_space<vmem>> -> memref<200xi32, #tpu.memory_space<vmem>>
      %dma_start3A_463 = arith.constant 0 : i32
      %dma_start3A_464 = arith.constant 0 : i32
      %dma_start3A_465 = tpu.memref_slice %arg3[%dma_start3A_463, %dma_start3A_464] : memref<100000x128xf32, #tpu.memory_space<hbm>> -> memref<100000x128xf32, #tpu.memory_space<hbm>>
      tpu.enqueue_indirect_dma source(%dma_start3A_465 : memref<100000x128xf32, #tpu.memory_space<hbm>>) target(%dma_start3A_461 : memref<200x128xf32, #tpu.memory_space<vmem>>) offsets(%dma_start3A_462 : memref<200xi32, #tpu.memory_space<vmem>>) semaphore(%arg10 : memref<!tpu.dma_semaphore, #tpu.memory_space<semaphore_mem>>)
      %dma_wait3A_466 = arith.constant 1 : i32
      %dma_wait3A_467 = arith.constant 0 : i32
      %dma_wait3A_468 = arith.constant 0 : i32
      %dma_wait3A_469 = tpu.memref_slice %arg6[%dma_wait3A_466, %dma_wait3A_467, %dma_wait3A_468] : memref<4x200x128xf32, #tpu.memory_space<vmem>> -> memref<1x200x128xf32, #tpu.memory_space<vmem>>
      %dma_wait3A_470 = tpu.memref_squeeze %dma_wait3A_469 : memref<1x200x128xf32, #tpu.memory_space<vmem>> -> memref<200x128xf32, #tpu.memory_space<vmem>>
      %dma_wait3A_471 = arith.constant 0 : i32
      %dma_wait3A_472 = tpu.memref_slice %arg5[%dma_wait3A_471] : memref<25600xi32, #tpu.memory_space<vmem>> -> memref<200xi32, #tpu.memory_space<vmem>>
      %dma_wait3A_473 = arith.constant 0 : i32
      %dma_wait3A_474 = arith.constant 0 : i32
      %dma_wait3A_475 = tpu.memref_slice %arg3[%dma_wait3A_473, %dma_wait3A_474] : memref<100000x128xf32, #tpu.memory_space<hbm>> -> memref<100000x128xf32, #tpu.memory_space<hbm>>
      tpu.wait_indirect_dma semaphore(%arg8 : memref<!tpu.dma_semaphore, #tpu.memory_space<semaphore_mem>>) src(%dma_wait3A_475 : memref<100000x128xf32, #tpu.memory_space<hbm>>) dst(%dma_wait3A_470 : memref<200x128xf32, #tpu.memory_space<vmem>>)
      %sub3A_476 = arith.constant 2 : i32
      %sub3A_477 = arith.subi %add3A_436, %sub3A_476 : i32
      %add3A_478 = arith.addi %mul3A_2, %sub3A_477 : i32
      %dma_start3A_479 = arith.constant 1 : i32
      %dma_start3A_480 = arith.constant 0 : i32
      %dma_start3A_481 = arith.constant 0 : i32
      %dma_start3A_482 = tpu.memref_slice %arg6[%dma_start3A_479, %dma_start3A_480, %dma_start3A_481] : memref<4x200x128xf32, #tpu.memory_space<vmem>> -> memref<1x200x128xf32, #tpu.memory_space<vmem>>
      %dma_start3A_483 = tpu.memref_squeeze %dma_start3A_482 : memref<1x200x128xf32, #tpu.memory_space<vmem>> -> memref<200x128xf32, #tpu.memory_space<vmem>>
      %dma_start3A_484 = arith.constant 0 : i32
      %dma_start3A_485 = arith.constant 0 : i32
      %dma_start3A_486 = tpu.memref_slice %arg4[%add3A_478, %dma_start3A_484, %dma_start3A_485] : memref<4096x200x128xf32, #tpu.memory_space<hbm>> -> memref<1x200x128xf32, #tpu.memory_space<hbm>>
      %dma_start3A_487 = tpu.memref_squeeze %dma_start3A_486 : memref<1x200x128xf32, #tpu.memory_space<hbm>> -> memref<200x128xf32, #tpu.memory_space<hbm>>
      %dma_start3A_488 = arith.constant 0 : i32
      %dma_start3A_489 = arith.constant 0 : i32
      %dma_start3A_490 = tpu.memref_slice %arg4[%add3A_478, %dma_start3A_488, %dma_start3A_489] : memref<4096x200x128xf32, #tpu.memory_space<hbm>> -> memref<1x200x128xf32, #tpu.memory_space<hbm>>
      %dma_start3A_491 = tpu.memref_squeeze %dma_start3A_490 : memref<1x200x128xf32, #tpu.memory_space<hbm>> -> memref<200x128xf32, #tpu.memory_space<hbm>>
      %dma_start3A_492 = arith.constant 0 : i32
      %dma_start3A_493 = arith.constant 0 : i32
      %dma_start3A_494 = tpu.memref_slice %arg6[%dma_start3A_479, %dma_start3A_492, %dma_start3A_493] : memref<4x200x128xf32, #tpu.memory_space<vmem>> -> memref<1x200x128xf32, #tpu.memory_space<vmem>>
      %dma_start3A_495 = tpu.memref_squeeze %dma_start3A_494 : memref<1x200x128xf32, #tpu.memory_space<vmem>> -> memref<200x128xf32, #tpu.memory_space<vmem>>
      tpu.enqueue_dma source(%dma_start3A_495 : memref<200x128xf32, #tpu.memory_space<vmem>>) target(%dma_start3A_491 : memref<200x128xf32, #tpu.memory_space<hbm>>) target_semaphore(%arg12 : memref<!tpu.dma_semaphore, #tpu.memory_space<semaphore_mem>>)
    }
    %scan3A_105 = arith.constant 31 : i32
    %dma_wait3A_106 = arith.constant 2 : i32
    %dma_wait3A_107 = arith.constant 0 : i32
    %dma_wait3A_108 = arith.constant 0 : i32
    %dma_wait3A_109 = tpu.memref_slice %arg6[%dma_wait3A_106, %dma_wait3A_107, %dma_wait3A_108] : memref<4x200x128xf32, #tpu.memory_space<vmem>> -> memref<1x200x128xf32, #tpu.memory_space<vmem>>
    %dma_wait3A_110 = tpu.memref_squeeze %dma_wait3A_109 : memref<1x200x128xf32, #tpu.memory_space<vmem>> -> memref<200x128xf32, #tpu.memory_space<vmem>>
    %dma_wait3A_111 = arith.constant 0 : i32
    %dma_wait3A_112 = tpu.memref_slice %arg5[%dma_wait3A_111] : memref<25600xi32, #tpu.memory_space<vmem>> -> memref<200xi32, #tpu.memory_space<vmem>>
    %dma_wait3A_113 = arith.constant 0 : i32
    %dma_wait3A_114 = arith.constant 0 : i32
    %dma_wait3A_115 = tpu.memref_slice %arg3[%dma_wait3A_113, %dma_wait3A_114] : memref<100000x128xf32, #tpu.memory_space<hbm>> -> memref<100000x128xf32, #tpu.memory_space<hbm>>
    tpu.wait_indirect_dma semaphore(%arg9 : memref<!tpu.dma_semaphore, #tpu.memory_space<semaphore_mem>>) src(%dma_wait3A_115 : memref<100000x128xf32, #tpu.memory_space<hbm>>) dst(%dma_wait3A_110 : memref<200x128xf32, #tpu.memory_space<vmem>>)
    %add3A_116 = arith.constant 126 : i32
    %add3A_117 = arith.addi %mul3A_2, %add3A_116 : i32
    %dma_start3A_118 = arith.constant 2 : i32
    %dma_start3A_119 = arith.constant 0 : i32
    %dma_start3A_120 = arith.constant 0 : i32
    %dma_start3A_121 = tpu.memref_slice %arg6[%dma_start3A_118, %dma_start3A_119, %dma_start3A_120] : memref<4x200x128xf32, #tpu.memory_space<vmem>> -> memref<1x200x128xf32, #tpu.memory_space<vmem>>
    %dma_start3A_122 = tpu.memref_squeeze %dma_start3A_121 : memref<1x200x128xf32, #tpu.memory_space<vmem>> -> memref<200x128xf32, #tpu.memory_space<vmem>>
    %dma_start3A_123 = arith.constant 0 : i32
    %dma_start3A_124 = arith.constant 0 : i32
    %dma_start3A_125 = tpu.memref_slice %arg4[%add3A_117, %dma_start3A_123, %dma_start3A_124] : memref<4096x200x128xf32, #tpu.memory_space<hbm>> -> memref<1x200x128xf32, #tpu.memory_space<hbm>>
    %dma_start3A_126 = tpu.memref_squeeze %dma_start3A_125 : memref<1x200x128xf32, #tpu.memory_space<hbm>> -> memref<200x128xf32, #tpu.memory_space<hbm>>
    %dma_start3A_127 = arith.constant 0 : i32
    %dma_start3A_128 = arith.constant 0 : i32
    %dma_start3A_129 = tpu.memref_slice %arg4[%add3A_117, %dma_start3A_127, %dma_start3A_128] : memref<4096x200x128xf32, #tpu.memory_space<hbm>> -> memref<1x200x128xf32, #tpu.memory_space<hbm>>
    %dma_start3A_130 = tpu.memref_squeeze %dma_start3A_129 : memref<1x200x128xf32, #tpu.memory_space<hbm>> -> memref<200x128xf32, #tpu.memory_space<hbm>>
    %dma_start3A_131 = arith.constant 0 : i32
    %dma_start3A_132 = arith.constant 0 : i32
    %dma_start3A_133 = tpu.memref_slice %arg6[%dma_start3A_118, %dma_start3A_131, %dma_start3A_132] : memref<4x200x128xf32, #tpu.memory_space<vmem>> -> memref<1x200x128xf32, #tpu.memory_space<vmem>>
    %dma_start3A_134 = tpu.memref_squeeze %dma_start3A_133 : memref<1x200x128xf32, #tpu.memory_space<vmem>> -> memref<200x128xf32, #tpu.memory_space<vmem>>
    tpu.enqueue_dma source(%dma_start3A_134 : memref<200x128xf32, #tpu.memory_space<vmem>>) target(%dma_start3A_130 : memref<200x128xf32, #tpu.memory_space<hbm>>) target_semaphore(%arg13 : memref<!tpu.dma_semaphore, #tpu.memory_space<semaphore_mem>>)
    %dma_wait3A_135 = arith.constant 3 : i32
    %dma_wait3A_136 = arith.constant 0 : i32
    %dma_wait3A_137 = arith.constant 0 : i32
    %dma_wait3A_138 = tpu.memref_slice %arg6[%dma_wait3A_135, %dma_wait3A_136, %dma_wait3A_137] : memref<4x200x128xf32, #tpu.memory_space<vmem>> -> memref<1x200x128xf32, #tpu.memory_space<vmem>>
    %dma_wait3A_139 = tpu.memref_squeeze %dma_wait3A_138 : memref<1x200x128xf32, #tpu.memory_space<vmem>> -> memref<200x128xf32, #tpu.memory_space<vmem>>
    %dma_wait3A_140 = arith.constant 0 : i32
    %dma_wait3A_141 = tpu.memref_slice %arg5[%dma_wait3A_140] : memref<25600xi32, #tpu.memory_space<vmem>> -> memref<200xi32, #tpu.memory_space<vmem>>
    %dma_wait3A_142 = arith.constant 0 : i32
    %dma_wait3A_143 = arith.constant 0 : i32
    %dma_wait3A_144 = tpu.memref_slice %arg3[%dma_wait3A_142, %dma_wait3A_143] : memref<100000x128xf32, #tpu.memory_space<hbm>> -> memref<100000x128xf32, #tpu.memory_space<hbm>>
    tpu.wait_indirect_dma semaphore(%arg10 : memref<!tpu.dma_semaphore, #tpu.memory_space<semaphore_mem>>) src(%dma_wait3A_144 : memref<100000x128xf32, #tpu.memory_space<hbm>>) dst(%dma_wait3A_139 : memref<200x128xf32, #tpu.memory_space<vmem>>)
    %add3A_145 = arith.constant 127 : i32
    %add3A_146 = arith.addi %mul3A_2, %add3A_145 : i32
    %dma_start3A_147 = arith.constant 3 : i32
    %dma_start3A_148 = arith.constant 0 : i32
    %dma_start3A_149 = arith.constant 0 : i32
    %dma_start3A_150 = tpu.memref_slice %arg6[%dma_start3A_147, %dma_start3A_148, %dma_start3A_149] : memref<4x200x128xf32, #tpu.memory_space<vmem>> -> memref<1x200x128xf32, #tpu.memory_space<vmem>>
    %dma_start3A_151 = tpu.memref_squeeze %dma_start3A_150 : memref<1x200x128xf32, #tpu.memory_space<vmem>> -> memref<200x128xf32, #tpu.memory_space<vmem>>
    %dma_start3A_152 = arith.constant 0 : i32
    %dma_start3A_153 = arith.constant 0 : i32
    %dma_start3A_154 = tpu.memref_slice %arg4[%add3A_146, %dma_start3A_152, %dma_start3A_153] : memref<4096x200x128xf32, #tpu.memory_space<hbm>> -> memref<1x200x128xf32, #tpu.memory_space<hbm>>
    %dma_start3A_155 = tpu.memref_squeeze %dma_start3A_154 : memref<1x200x128xf32, #tpu.memory_space<hbm>> -> memref<200x128xf32, #tpu.memory_space<hbm>>
    %dma_start3A_156 = arith.constant 0 : i32
    %dma_start3A_157 = arith.constant 0 : i32
    %dma_start3A_158 = tpu.memref_slice %arg4[%add3A_146, %dma_start3A_156, %dma_start3A_157] : memref<4096x200x128xf32, #tpu.memory_space<hbm>> -> memref<1x200x128xf32, #tpu.memory_space<hbm>>
    %dma_start3A_159 = tpu.memref_squeeze %dma_start3A_158 : memref<1x200x128xf32, #tpu.memory_space<hbm>> -> memref<200x128xf32, #tpu.memory_space<hbm>>
    %dma_start3A_160 = arith.constant 0 : i32
    %dma_start3A_161 = arith.constant 0 : i32
    %dma_start3A_162 = tpu.memref_slice %arg6[%dma_start3A_147, %dma_start3A_160, %dma_start3A_161] : memref<4x200x128xf32, #tpu.memory_space<vmem>> -> memref<1x200x128xf32, #tpu.memory_space<vmem>>
    %dma_start3A_163 = tpu.memref_squeeze %dma_start3A_162 : memref<1x200x128xf32, #tpu.memory_space<vmem>> -> memref<200x128xf32, #tpu.memory_space<vmem>>
    tpu.enqueue_dma source(%dma_start3A_163 : memref<200x128xf32, #tpu.memory_space<vmem>>) target(%dma_start3A_159 : memref<200x128xf32, #tpu.memory_space<hbm>>) target_semaphore(%arg14 : memref<!tpu.dma_semaphore, #tpu.memory_space<semaphore_mem>>)
    %dma_wait3A_164 = arith.constant 0 : i32
    %dma_wait3A_165 = arith.constant 0 : i32
    %dma_wait3A_166 = arith.constant 0 : i32
    %dma_wait3A_167 = arith.constant 0 : i32
    %dma_wait3A_168 = tpu.memref_slice %arg6[%dma_wait3A_164, %dma_wait3A_166, %dma_wait3A_167] : memref<4x200x128xf32, #tpu.memory_space<vmem>> -> memref<1x200x128xf32, #tpu.memory_space<vmem>>
    %dma_wait3A_169 = tpu.memref_squeeze %dma_wait3A_168 : memref<1x200x128xf32, #tpu.memory_space<vmem>> -> memref<200x128xf32, #tpu.memory_space<vmem>>
    %dma_wait3A_170 = arith.constant 0 : i32
    %dma_wait3A_171 = arith.constant 0 : i32
    %dma_wait3A_172 = tpu.memref_slice %arg4[%dma_wait3A_165, %dma_wait3A_170, %dma_wait3A_171] : memref<4096x200x128xf32, #tpu.memory_space<hbm>> -> memref<1x200x128xf32, #tpu.memory_space<hbm>>
    %dma_wait3A_173 = tpu.memref_squeeze %dma_wait3A_172 : memref<1x200x128xf32, #tpu.memory_space<hbm>> -> memref<200x128xf32, #tpu.memory_space<hbm>>
    %dma_wait3A_174 = arith.constant 0 : i32
    %dma_wait3A_175 = arith.constant 0 : i32
    %dma_wait3A_176 = tpu.memref_slice %arg4[%dma_wait3A_165, %dma_wait3A_174, %dma_wait3A_175] : memref<4096x200x128xf32, #tpu.memory_space<hbm>> -> memref<1x200x128xf32, #tpu.memory_space<hbm>>
    %dma_wait3A_177 = tpu.memref_squeeze %dma_wait3A_176 : memref<1x200x128xf32, #tpu.memory_space<hbm>> -> memref<200x128xf32, #tpu.memory_space<hbm>>
    %dma_wait3A_178 = arith.constant 0 : i32
    %dma_wait3A_179 = arith.constant 0 : i32
    %dma_wait3A_180 = tpu.memref_slice %arg6[%dma_wait3A_164, %dma_wait3A_178, %dma_wait3A_179] : memref<4x200x128xf32, #tpu.memory_space<vmem>> -> memref<1x200x128xf32, #tpu.memory_space<vmem>>
    %dma_wait3A_181 = tpu.memref_squeeze %dma_wait3A_180 : memref<1x200x128xf32, #tpu.memory_space<vmem>> -> memref<200x128xf32, #tpu.memory_space<vmem>>
    tpu.wait_dma2 semaphore(%arg11 : memref<!tpu.dma_semaphore, #tpu.memory_space<semaphore_mem>>) src(%dma_wait3A_181 : memref<200x128xf32, #tpu.memory_space<vmem>>) dst(%dma_wait3A_177 : memref<200x128xf32, #tpu.memory_space<hbm>>)
    %dma_wait3A_182 = arith.constant 1 : i32
    %dma_wait3A_183 = arith.constant 0 : i32
    %dma_wait3A_184 = arith.constant 0 : i32
    %dma_wait3A_185 = arith.constant 0 : i32
    %dma_wait3A_186 = tpu.memref_slice %arg6[%dma_wait3A_182, %dma_wait3A_184, %dma_wait3A_185] : memref<4x200x128xf32, #tpu.memory_space<vmem>> -> memref<1x200x128xf32, #tpu.memory_space<vmem>>
    %dma_wait3A_187 = tpu.memref_squeeze %dma_wait3A_186 : memref<1x200x128xf32, #tpu.memory_space<vmem>> -> memref<200x128xf32, #tpu.memory_space<vmem>>
    %dma_wait3A_188 = arith.constant 0 : i32
    %dma_wait3A_189 = arith.constant 0 : i32
    %dma_wait3A_190 = tpu.memref_slice %arg4[%dma_wait3A_183, %dma_wait3A_188, %dma_wait3A_189] : memref<4096x200x128xf32, #tpu.memory_space<hbm>> -> memref<1x200x128xf32, #tpu.memory_space<hbm>>
    %dma_wait3A_191 = tpu.memref_squeeze %dma_wait3A_190 : memref<1x200x128xf32, #tpu.memory_space<hbm>> -> memref<200x128xf32, #tpu.memory_space<hbm>>
    %dma_wait3A_192 = arith.constant 0 : i32
    %dma_wait3A_193 = arith.constant 0 : i32
    %dma_wait3A_194 = tpu.memref_slice %arg4[%dma_wait3A_183, %dma_wait3A_192, %dma_wait3A_193] : memref<4096x200x128xf32, #tpu.memory_space<hbm>> -> memref<1x200x128xf32, #tpu.memory_space<hbm>>
    %dma_wait3A_195 = tpu.memref_squeeze %dma_wait3A_194 : memref<1x200x128xf32, #tpu.memory_space<hbm>> -> memref<200x128xf32, #tpu.memory_space<hbm>>
    %dma_wait3A_196 = arith.constant 0 : i32
    %dma_wait3A_197 = arith.constant 0 : i32
    %dma_wait3A_198 = tpu.memref_slice %arg6[%dma_wait3A_182, %dma_wait3A_196, %dma_wait3A_197] : memref<4x200x128xf32, #tpu.memory_space<vmem>> -> memref<1x200x128xf32, #tpu.memory_space<vmem>>
    %dma_wait3A_199 = tpu.memref_squeeze %dma_wait3A_198 : memref<1x200x128xf32, #tpu.memory_space<vmem>> -> memref<200x128xf32, #tpu.memory_space<vmem>>
    tpu.wait_dma2 semaphore(%arg12 : memref<!tpu.dma_semaphore, #tpu.memory_space<semaphore_mem>>) src(%dma_wait3A_199 : memref<200x128xf32, #tpu.memory_space<vmem>>) dst(%dma_wait3A_195 : memref<200x128xf32, #tpu.memory_space<hbm>>)
    %dma_wait3A_200 = arith.constant 2 : i32
    %dma_wait3A_201 = arith.constant 0 : i32
    %dma_wait3A_202 = arith.constant 0 : i32
    %dma_wait3A_203 = arith.constant 0 : i32
    %dma_wait3A_204 = tpu.memref_slice %arg6[%dma_wait3A_200, %dma_wait3A_202, %dma_wait3A_203] : memref<4x200x128xf32, #tpu.memory_space<vmem>> -> memref<1x200x128xf32, #tpu.memory_space<vmem>>
    %dma_wait3A_205 = tpu.memref_squeeze %dma_wait3A_204 : memref<1x200x128xf32, #tpu.memory_space<vmem>> -> memref<200x128xf32, #tpu.memory_space<vmem>>
    %dma_wait3A_206 = arith.constant 0 : i32
    %dma_wait3A_207 = arith.constant 0 : i32
    %dma_wait3A_208 = tpu.memref_slice %arg4[%dma_wait3A_201, %dma_wait3A_206, %dma_wait3A_207] : memref<4096x200x128xf32, #tpu.memory_space<hbm>> -> memref<1x200x128xf32, #tpu.memory_space<hbm>>
    %dma_wait3A_209 = tpu.memref_squeeze %dma_wait3A_208 : memref<1x200x128xf32, #tpu.memory_space<hbm>> -> memref<200x128xf32, #tpu.memory_space<hbm>>
    %dma_wait3A_210 = arith.constant 0 : i32
    %dma_wait3A_211 = arith.constant 0 : i32
    %dma_wait3A_212 = tpu.memref_slice %arg4[%dma_wait3A_201, %dma_wait3A_210, %dma_wait3A_211] : memref<4096x200x128xf32, #tpu.memory_space<hbm>> -> memref<1x200x128xf32, #tpu.memory_space<hbm>>
    %dma_wait3A_213 = tpu.memref_squeeze %dma_wait3A_212 : memref<1x200x128xf32, #tpu.memory_space<hbm>> -> memref<200x128xf32, #tpu.memory_space<hbm>>
    %dma_wait3A_214 = arith.constant 0 : i32
    %dma_wait3A_215 = arith.constant 0 : i32
    %dma_wait3A_216 = tpu.memref_slice %arg6[%dma_wait3A_200, %dma_wait3A_214, %dma_wait3A_215] : memref<4x200x128xf32, #tpu.memory_space<vmem>> -> memref<1x200x128xf32, #tpu.memory_space<vmem>>
    %dma_wait3A_217 = tpu.memref_squeeze %dma_wait3A_216 : memref<1x200x128xf32, #tpu.memory_space<vmem>> -> memref<200x128xf32, #tpu.memory_space<vmem>>
    tpu.wait_dma2 semaphore(%arg13 : memref<!tpu.dma_semaphore, #tpu.memory_space<semaphore_mem>>) src(%dma_wait3A_217 : memref<200x128xf32, #tpu.memory_space<vmem>>) dst(%dma_wait3A_213 : memref<200x128xf32, #tpu.memory_space<hbm>>)
    %dma_wait3A_218 = arith.constant 3 : i32
    %dma_wait3A_219 = arith.constant 0 : i32
    %dma_wait3A_220 = arith.constant 0 : i32
    %dma_wait3A_221 = arith.constant 0 : i32
    %dma_wait3A_222 = tpu.memref_slice %arg6[%dma_wait3A_218, %dma_wait3A_220, %dma_wait3A_221] : memref<4x200x128xf32, #tpu.memory_space<vmem>> -> memref<1x200x128xf32, #tpu.memory_space<vmem>>
    %dma_wait3A_223 = tpu.memref_squeeze %dma_wait3A_222 : memref<1x200x128xf32, #tpu.memory_space<vmem>> -> memref<200x128xf32, #tpu.memory_space<vmem>>
    %dma_wait3A_224 = arith.constant 0 : i32
    %dma_wait3A_225 = arith.constant 0 : i32
    %dma_wait3A_226 = tpu.memref_slice %arg4[%dma_wait3A_219, %dma_wait3A_224, %dma_wait3A_225] : memref<4096x200x128xf32, #tpu.memory_space<hbm>> -> memref<1x200x128xf32, #tpu.memory_space<hbm>>
    %dma_wait3A_227 = tpu.memref_squeeze %dma_wait3A_226 : memref<1x200x128xf32, #tpu.memory_space<hbm>> -> memref<200x128xf32, #tpu.memory_space<hbm>>
    %dma_wait3A_228 = arith.constant 0 : i32
    %dma_wait3A_229 = arith.constant 0 : i32
    %dma_wait3A_230 = tpu.memref_slice %arg4[%dma_wait3A_219, %dma_wait3A_228, %dma_wait3A_229] : memref<4096x200x128xf32, #tpu.memory_space<hbm>> -> memref<1x200x128xf32, #tpu.memory_space<hbm>>
    %dma_wait3A_231 = tpu.memref_squeeze %dma_wait3A_230 : memref<1x200x128xf32, #tpu.memory_space<hbm>> -> memref<200x128xf32, #tpu.memory_space<hbm>>
    %dma_wait3A_232 = arith.constant 0 : i32
    %dma_wait3A_233 = arith.constant 0 : i32
    %dma_wait3A_234 = tpu.memref_slice %arg6[%dma_wait3A_218, %dma_wait3A_232, %dma_wait3A_233] : memref<4x200x128xf32, #tpu.memory_space<vmem>> -> memref<1x200x128xf32, #tpu.memory_space<vmem>>
    %dma_wait3A_235 = tpu.memref_squeeze %dma_wait3A_234 : memref<1x200x128xf32, #tpu.memory_space<vmem>> -> memref<200x128xf32, #tpu.memory_space<vmem>>
    tpu.wait_dma2 semaphore(%arg14 : memref<!tpu.dma_semaphore, #tpu.memory_space<semaphore_mem>>) src(%dma_wait3A_235 : memref<200x128xf32, #tpu.memory_space<vmem>>) dst(%dma_wait3A_231 : memref<200x128xf32, #tpu.memory_space<hbm>>)
    return
  }
}

</mosaic_0001>

<sc_bundles>
// kernel: _sc_gather.3.cloned.1.call-start
scs
__scs_entry_jumppad:
0x0: {  	(pc) =	sbr.rel $0x88, $3  }
0x1: {  	(tag) =	ssettag $0x0;
	lr =	simm.s32 $0x1  }
0x2: {  	[smem:$0x3F9F] =	sst lr;
	_ =	strace $0xD0000000  }
0x3: {  	_ = 	snop  }
0x4: {  	_ = 	snop  }
0x5: {  	_ = 	snop  }
0x6: {  	_ = 	snop  }
0x7: {  	_ = 	snop  }
__scs_overlays_trampoline_lowered:
0x8: {  	[smem:$0x3FAE] =	sst s0  }
0x9: {  	[smem:$0x3FAF] =	sst s1  }
0xa: {  	[smem:$0x3FB0] =	sst s2  }
0xb: {  	[smem:$0x3FB1] =	sst s3  }
0xc: {  	[smem:$0x3FB2] =	sst s4  }
0xd: {  	[smem:$0x3FB3] =	sst s5  }
0xe: {  	[smem:$0x3FB4] =	sst s6  }
0xf: {  	[smem:$0x3FB5] =	sst s7  }
0x10: {  	[smem:$0x3FB6] =	sst s8  }
0x11: {  	[smem:$0x3FB7] =	sst s9;
	s0 =	simm.s32 @!p0 $0x0  }
0x12: {  	s1 =	sld [smem:$0x3F9D];
	s0 =	simm.s32 @p0 $0x1  }
0x13: {  	[smem:$0x3FB8] =	sst s0;
	s0 =	simm.s32 @!p1 $0x0  }
0x14: {  	s2 =	sld [smem:$0x3F9C];
	s0 =	simm.s32 @p1 $0x1  }
0x15: {  	[smem:$0x3FB9] =	sst s0;
	s0 =	simm.s32 @!p2 $0x0  }
0x16: {  	s3 =	sld [smem:$0x3FDB];
	s0 =	simm.s32 @p2 $0x1  }
0x17: {  	s4 =	simm.s32 $0x1BF5;
	[smem:$0x3FBB] =	sst s0  }
0x18: {  	s0 =	sld [smem:$0x3F9E];
	_ =	swait.ge [sflag:s4], $0x0  }
0x19: {  	s7 =	sld [smem:$0x3F9F]  }
0x1a: {  	s8 =	sadd.s32 $0xFFFFE003, lr  }
0x1b: {  	s9 =	sadd.s32 $0xFFFFFEF7, lr;
	s5 =	simm.s32 $0xFFFFFFFF;
	p2 =	slt.u32 s8, $0xFFFFF086  }
0x1c: {  	p1 =	slt.u32 s9, $0xF7A;
	s5 =	simm.s32 @!p2 $0x0  }
0x1d: {  	s5 =	simm.s32 @p1 $0x1;
	p0 =	seq.s32 s7, s2  }
0x1e: {  	s7 =	smul.u32 @!p0 $0xF7A, s2;
	p2 =	seq.s32 @!p0 s5, $0x0  }
0x1f: {  	s9 =	smul.u32 $0xF7A, s1;
	s8 =	simm.s32 @!p0 $0x1BF5;
	p2 =	por !p2, p0  }
0x20: {  	[sflag:s8] =	ssyncset.s32 @!p0 $0xFFFFF086;
	s6 =	sadd.s32 @!p0 s3, s7;
	s7 =	simm.s32 @!p0 $0x108  }
0x21: {  	s3 =	sadd.s32 s3, s9;
	s6 =	sadd.s32 @!p0 $0x88, s6;
	s7 =	simm.s32 @p2 $0x1082  }
0x22: {  	[simem:s7], [sflag:s8] =	dma.local @!p0 [hbm:s6], $0xF7A  }
0x23: {  	s9 =	sor.u32 $0xD0000000, s2;
	s6 =	simm.s32 $0x108;
	_ =	swait.ge @!p0 [sflag:s8], $0x0  }
0x24: {  	s3 =	sadd.s32 $0x88, s3;
	s6 =	simm.s32 @!p1 $0x1082;
	[sflag:s4] =	ssyncset.s32 $0xFFFFF086  }
0x25: {  	[simem:s6], [sflag:s4] =	dma.local [hbm:s3], $0xF7A  }
0x26: {  	[smem:$0x3F9F] =	sst s1;
	(tag) =	ssettag s2;
	_ =	strace s9  }
0x27: {  	s1 =	sld [smem:$0x3FAF]  }
0x28: {  	s2 =	sld [smem:$0x3FB0]  }
0x29: {  	s4 =	sld [smem:$0x3FB2]  }
0x2a: {  	p0 =	seq.s32 s5, $0x0;
	s5 =	sld [smem:$0x3FB3]  }
0x2b: {  	s6 =	sld [smem:$0x3FB4]  }
0x2c: {  	s7 =	sld [smem:$0x3FB5]  }
0x2d: {  	s3 =	simm.s32 $0x108;
	s8 =	sld [smem:$0x3FB6]  }
0x2e: {  	s3 =	simm.s32 @!p0 $0x1082;
	s9 =	sld [smem:$0x3FB7]  }
0x2f: {  	lr =	sadd.s32 s0, s3;
	s0 =	sld [smem:$0x3FAE]  }
0x30: {  	s3 =	sld [smem:$0x3FB1]  }
0x31: {  	[smem:$0x3FBA] =	sst s10  }
0x32: {  	s10 =	sld [smem:$0x3FB8];
	_ =	sdelay $0x3  }
0x33: {  	p0 =	seq.s32 s10, $0x1;
	s10 =	sld [smem:$0x3FBA];
	_ =	sdelay $0x3  }
0x34: {  	[smem:$0x3FBA] =	sst s10  }
0x35: {  	s10 =	sld [smem:$0x3FB9];
	_ =	sdelay $0x3  }
0x36: {  	p1 =	seq.s32 s10, $0x1;
	s10 =	sld [smem:$0x3FBA];
	_ =	sdelay $0x3  }
0x37: {  	[smem:$0x3FBA] =	sst s10  }
0x38: {  	s10 =	sld [smem:$0x3FBB]  }
0x39: {  	_ = 	snop;
	(pc) =	sbr.ind lr, $3  }
0x3a: {  	_ = 	snop  }
0x3b: {  	_ = 	snop  }
0x3c: {  	p2 =	seq.s32 s10, $0x1;
	s10 =	sld [smem:$0x3FBA]  }
0x3d: {  	_ =	shalt  }
0x3e: {  	_ =	shalt  }
0x3f: {  	_ =	shalt  }
0x40: {  	_ =	shalt  }
0x41: {  	_ =	shalt  }
0x42: {  	_ =	shalt  }
0x43: {  	_ =	shalt  }
0x44: {  	_ =	shalt  }
0x45: {  	_ =	shalt  }
0x46: {  	_ =	shalt  }
0x47: {  	_ =	shalt  }
0x48: {  	_ =	shalt  }
0x49: {  	_ =	shalt  }
0x4a: {  	_ =	shalt  }
0x4b: {  	_ =	shalt  }
0x4c: {  	_ =	shalt  }
0x4d: {  	_ =	shalt  }
0x4e: {  	_ =	shalt  }
0x4f: {  	_ =	shalt  }
0x50: {  	_ =	shalt  }
0x51: {  	_ =	shalt  }
0x52: {  	_ =	shalt  }
0x53: {  	_ =	shalt  }
0x54: {  	_ =	shalt  }
0x55: {  	_ =	shalt  }
0x56: {  	_ =	shalt  }
0x57: {  	_ =	shalt  }
0x58: {  	_ =	shalt  }
0x59: {  	_ =	shalt  }
0x5a: {  	_ =	shalt  }
0x5b: {  	_ =	shalt  }
0x5c: {  	_ =	shalt  }
0x5d: {  	_ =	shalt  }
0x5e: {  	_ =	shalt  }
0x5f: {  	_ =	shalt  }
0x60: {  	_ =	shalt  }
0x61: {  	_ =	shalt  }
0x62: {  	_ =	shalt  }
0x63: {  	_ =	shalt  }
0x64: {  	_ =	shalt  }
0x65: {  	_ =	shalt  }
0x66: {  	_ =	shalt  }
0x67: {  	_ =	shalt  }
0x68: {  	_ =	shalt  }
0x69: {  	_ =	shalt  }
0x6a: {  	_ =	shalt  }
0x6b: {  	_ =	shalt  }
0x6c: {  	_ =	shalt  }
0x6d: {  	_ =	shalt  }
0x6e: {  	_ =	shalt  }
0x6f: {  	_ =	shalt  }
0x70: {  	_ =	shalt  }
0x71: {  	_ =	shalt  }
0x72: {  	_ =	shalt  }
0x73: {  	_ =	shalt  }
0x74: {  	_ =	shalt  }
0x75: {  	_ =	shalt  }
0x76: {  	_ =	shalt  }
0x77: {  	_ =	shalt  }
0x78: {  	_ =	shalt  }
0x79: {  	_ =	shalt  }
0x7a: {  	_ =	shalt  }
0x7b: {  	_ =	shalt  }
0x7c: {  	_ =	shalt  }
0x7d: {  	_ =	shalt  }
0x7e: {  	_ =	shalt  }
0x7f: {  	_ =	shalt  }
0x80: {  	_ =	shalt  }
0x81: {  	_ =	shalt  }
0x82: {  	_ =	shalt  }
0x83: {  	_ =	shalt  }
0x84: {  	_ =	shalt  }
0x85: {  	_ =	shalt  }
0x86: {  	_ =	shalt  }
0x87: {  	_ =	shalt  }
.Lfunc_end0:
.L_simem_size_0:
called_computation_lowered:
.L_overlay_start_0:
0x88: {  	s2 =	sld [smem:$0x3FD9]  }
0x89: {  	s3 =	sld [smem:$0x3FFE];
	_ =	sdelay $0x1  }
0x8a: {  	s1 =	srdreg.scid  }
0x8b: {  	s0 =	sand.u32 $0x1, s1  }
0x8c: {  	s18 =	sshll.u32 s0, $0xA;
	s2 =	sadd.s32 s3, s2  }
0x8d: {  	s2 =	sadd.s32 s2, s18  }
0x8e: {  	[smem:$0x3FC6] =	sst s2  }
0x8f: {  	_ = 	snop  }
0x90: {  	s2 =	sld [smem:$0x3FC9]  }
0x91: {  	s19 =	sld [smem:$0x3FC8]  }
0x92: {  	s4 =	sld [smem:$0x3FD0];
	(tm) =	ssettm $0x1  }
0x93: {  	s5 =	sld [smem:$0x3FFB];
	_ =	sdelay $0x3  }
0x94: {  	_ =	strace s5  }
0x95: {  	s5 =	sld [smem:$0x3FFC];
	_ =	sdelay $0x3  }
0x96: {  	_ =	strace s5  }
0x97: {  	s5 =	sld [smem:$0x3FFD];
	_ =	sdelay $0x3  }
0x98: {  	_ =	strace s5  }
0x99: {  	_ =	strace $0x8FFFFFFF  }
0x9a: {  	s20 =	sld [smem:$0x3FDB];
	_ =	sdelay $0x1  }
0x9b: {  	s6 =	simm.s32 $_scs_section_size  }
0x9c: {  	s7 =	simm.s32 $_size__tile_overlayer_lowered;
	s8 =	simm.s32 $_tile_overlayer_lowered  }
0x9d: {  	s23 =	simm.s32 $0x1BFF;
	s22 =	sshll.u32 s8, $0x1;
	s5 =	sadd.s32 s6, s20  }
0x9e: {  	s9 =	simm.s32 $0x0;
	s21 =	sshll.u32 s7, $0x1;
	s7 =	sadd.s32 s22, s5  }
0x9f: {  	[timem:s9], [sflag:s23] =	dma.local [hbm:s7], s21  }
0xa0: {  	_ =	swait.ge [sflag:s23], s21  }
0xa1: {  	s6 =	ssub.s32 $0x0, s21;
	[sflag:s23] =	ssyncset.done $0x0  }
0xa2: {  	[sflag:s23] =	ssyncadd.s32 s6;
	_ =	sdelay $0x1  }
0xa3: {  	s24 =	simm.s32 $0x1B8B  }
0xa4: {  	_ =	swait.ge [sflag:s24], $0x1  }
0xa5: {  	[sflag:s24] =	ssyncset.done $0x0  }
0xa6: {  	s25 =	simm.s32 $0x1B8E;
	[sflag:s24] =	ssyncadd.s32 $0xFFFFFFFF  }
0xa7: {  	s26 =	simm.s32 $execute0_lowered;
	[smem:$0x3FD2] =	sst s25  }
0xa8: {  	s6 =	sshll.u32 s26, $0x1;
	_ =	strace $0x80000046;
	[dreg:$0x1] =	wrdreg $0xFFFFFFFF  }
0xa9: {  	s28 =	simm.s32 $_size_execute0_lowered;
	s5 =	sadd.s32 s5, s6;
	[dreg:$0x0] =	wrdreg $0x0  }
0xaa: {  	s6 =	sshll.u32 s28, $0x1;
	[dreg:$0x2] =	wrdreg s5  }
0xab: {  	[dreg:$0x3] =	wrdreg s6  }
0xac: {  	[dreg:$0x4] =	wrdreg $0xC0  }
0xad: {  	_ =	task [dreg:s9], $0x5FFFF  }
0xae: {  	[dreg:$0x1] =	wrdreg $0xFFFFFFFF  }
0xaf: {  	[dreg:$0x0] =	wrdreg $0x60  }
0xb0: {  	[dreg:$0x2] =	wrdreg s2  }
0xb1: {  	[dreg:$0x3] =	wrdreg s19  }
0xb2: {  	[dreg:$0x4] =	wrdreg s4  }
0xb3: {  	[dreg:$0x5] =	wrdreg $0x9  }
0xb4: {  	_ =	task.clear_ibuf [dreg:s9], $0x6FFFF;
	_ =	strace $0x90000046  }
0xb5: {  	s29 =	simm.s32 $0x9;
	_ =	strace $0x80000048  }
0xb6: {  	_ =	swait.ge [sflag:s29], $0x1  }
0xb7: {  	[sflag:s29] =	ssyncadd.s32 $0xFFFFFFFF  }
0xb8: {  	_ =	strace $0x90000048  }
0xb9: {  	_ =	sfence  }
0xba: {  	s30 =	sld [smem:$0x0];
	_ =	sdelay $0x2  }
0xbb: {  	s31 =	sshll.u32 s1, $0xD;
	s1 =	sshrl.u32 s1, $0x2  }
0xbc: {  	s3 =	sand.u32 $0x4000, s31;
	s1 =	sadd.s32 s1, s30  }
0xbd: {  	s0 =	sor.u32 s3, s0;
	s1 =	sshll.u32 s1, $0x11  }
0xbe: {  	s0 =	sor.u32 s1, s0  }
0xbf: {  	s0 =	sadd.s32 $0x8F2B, s0  }
0xc0: {  	[sflag:s0] =	ssyncadd.remote.s32 $0x1  }
0xc1: {  	_ =	sfence.sel $0xFFFF  }
0xc2: {  	[dreg:$0x0] =	wrdreg $0xFFFFFFFF;
	(pc) =	sbr.abs _section_cstart, $3  }
0xc3: {  	[dreg:$0x1] =	wrdreg $0xFFFFFFFF  }
0xc4: {  	_ =	task.clear_ibuf [dreg:s9], $0x2FFFF;
	_ =	strace $0x9FFFFFFF  }
0xc5: {  	(tm) =	ssettm $0x7FFFFFFF  }
tec
execute0_lowered:
.L_overlay_start_1:
0x0: {  	(tag) =	ssettag $0x1  }
0x1: {  	s4 =	rddreg [dreg:$0x0]  }
0x2: {  	s2 =	rddreg [dreg:$0x1];
	s1 =	srdreg.scid  }
0x3: {  	s0 =	stileid.u32;
	s8 =	rddreg [dreg:$0x2]  }
0x4: {  	s14 =	simm.s32 $0xC800;
	s15 =	simm.s32 $0x190;
	s16 =	simm.s32 $0x12C00  }
0x5: {  	s17 =	simm.s32 $0x1;
	s18 =	simm.s32 $0x258;
	s19 =	simm.s32 $0x19000  }
0x6: {  	s20 =	simm.s32 $0x2;
	s21 =	simm.s32 $0x5;
	s22 =	simm.s32 $0x3  }
0x7: {  	s23 =	simm.s32 $0x6;
	s24 =	simm.s32 $0x4;
	s25 =	simm.s32 $0x7  }
0x8: {  	s6 =	sand.u32 $0x1, s1;
	s3 =	sshll.u32 s0, $0x1;
	s30 =	smul.u32 $0xC8000, s0  }
0x9: {  	s26 =	simm.s32 $0x8;
	s5 =	sor.u32 s6, s3;
	s12 =	smul.u32 $0x64000, s6  }
0xa: {  	s28 =	simm.s32 $0x0;
	s3 =	simm.s32 $0x0;
	s9 =	smul.u32 $0xC80, s5  }
0xb: {  	s7 =	ssub.s32 $0x2, s6;
	[smem:$0x7FF] =	sst s3;
	s11 =	smul.u32 $0x320000, s5  }
0xc: {  	s10 =	sshrl.u32 s7, $0x1;
	s5 =	smul.u32 $0x64000, s5;
	s13 =	sadd.s32 s30, s8  }
0xd: {  	_ =	strace $0x80000047;
	s10 =	ssub.s32 s7, s10;
	s31 =	sadd.s32 s12, s13  }
0xe: {  	s12 =	simm.s32 $0xC8;
	s13 =	simm.s32 $0x6400;
	s4 =	sadd.s32 s4, s9  }
0xf: {  	s29 =	sshrl.u32 s11, $0x3;
	s5 =	sadd.s32 s8, s5;
	s9 =	smax.u32 s10, $0x1  }
0x10: {  	s10 =	sadd.s32 $0x2580, s31;
	s11 =	sadd.s32 s8, s29;
	s6 =	sadd.s32 $0xC80, s5  }
0x11: {  	s7 =	sadd.s32 $0x62700, s11;
	s8 =	sadd.s32 $0x63380, s11;
	s11 =	simm.s32 $0x9  }
.LBB2_1:
0x12: {  	[tilespmem:s3], [sflag:$0x9] =	stream.linear.gather [hbm4b:s4+s3], $0x6400, $0x38;
	[tilespmem:$0x1F400] =	vst v63  }
0x13: {  	_ =	swait.ge [sflag:s11], $0x6400  }
0x14: {  	[sflag:s11] =	ssyncset.done $0x0  }
0x15: {  	[sflag:s11] =	ssyncadd.s32 $0xFFFF9C00  }
0x16: {  	[tilespmem:s13], [sflag:$0x1] =	stream.indirect.gather [hbm4b:s2+s12], $0x80, s3, s12, $0xb8;
	[tilespmem:$0x1F400] =	vst v63  }
0x17: {  	_ = 	snop  }
0x18: {  	[tilespmem:s14], [sflag:$0x2] =	stream.indirect.gather [hbm4b:s2+s12], $0x80, s12, s12, $0xb8;
	[tilespmem:$0x1F400] =	vst v63  }
0x19: {  	_ = 	snop  }
0x1a: {  	[tilespmem:s16], [sflag:$0x3] =	stream.indirect.gather [hbm4b:s2+s12], $0x80, s15, s12, $0xb8;
	[tilespmem:$0x1F400] =	vst v63  }
0x1b: {  	_ =	swait.ge [sflag:s17], $0x6400  }
0x1c: {  	[sflag:s17] =	ssyncset.done $0x0  }
0x1d: {  	[sflag:s17] =	ssyncadd.s32 $0xFFFF9C00  }
0x1e: {  	[hbm4b:s5+s3] =	stream.linear.scatter [tilespmem:s13], [sflag:$0x5], $0x6400, $0x38;
	[tilespmem:$0x1F400] =	vst v63  }
0x1f: {  	_ = 	snop  }
0x20: {  	[tilespmem:s19], [sflag:$0x4] =	stream.indirect.gather [hbm4b:s2+s12], $0x80, s18, s12, $0xb8;
	[tilespmem:$0x1F400] =	vst v63  }
0x21: {  	_ =	swait.ge [sflag:s20], $0x6400  }
0x22: {  	[sflag:s20] =	ssyncset.done $0x0  }
0x23: {  	[sflag:s20] =	ssyncadd.s32 $0xFFFF9C00  }
0x24: {  	[hbm4b:s6+s3] =	stream.linear.scatter [tilespmem:s14], [sflag:$0x6], $0x6400, $0x38;
	[tilespmem:$0x1F400] =	vst v63  }
0x25: {  	_ =	swait.ge [sflag:s21], $0x6400  }
0x26: {  	[sflag:s21] =	ssyncset.done $0x0  }
0x27: {  	s29 =	simm.s32 $0x320;
	[sflag:s21] =	ssyncadd.s32 $0xFFFF9C00  }
0x28: {  	[tilespmem:s13], [sflag:$0x1] =	stream.indirect.gather [hbm4b:s2+s12], $0x80, s29, s12, $0xb8;
	[tilespmem:$0x1F400] =	vst v63  }
0x29: {  	_ =	swait.ge [sflag:s22], $0x6400  }
0x2a: {  	[sflag:s22] =	ssyncset.done $0x0  }
0x2b: {  	s29 =	sadd.s32 $0xFFFFF380, s10;
	[sflag:s22] =	ssyncadd.s32 $0xFFFF9C00  }
0x2c: {  	[hbm4b:s29+s3] =	stream.linear.scatter [tilespmem:s16], [sflag:$0x7], $0x6400, $0x38;
	[tilespmem:$0x1F400] =	vst v63  }
0x2d: {  	_ =	swait.ge [sflag:s23], $0x6400  }
0x2e: {  	[sflag:s23] =	ssyncset.done $0x0  }
0x2f: {  	s29 =	simm.s32 $0x3E8;
	[sflag:s23] =	ssyncadd.s32 $0xFFFF9C00  }
0x30: {  	[tilespmem:s14], [sflag:$0x2] =	stream.indirect.gather [hbm4b:s2+s12], $0x80, s29, s12, $0xb8;
	[tilespmem:$0x1F400] =	vst v63  }
0x31: {  	_ =	swait.ge [sflag:s24], $0x6400  }
0x32: {  	[sflag:s24] =	ssyncset.done $0x0  }
0x33: {  	[sflag:s24] =	ssyncadd.s32 $0xFFFF9C00  }
0x34: {  	[hbm4b:s10+s3] =	stream.linear.scatter [tilespmem:s19], [sflag:$0x8], $0x6400, $0x38;
	[tilespmem:$0x1F400] =	vst v63  }
0x35: {  	_ =	swait.ge [sflag:s25], $0x6400  }
0x36: {  	[sflag:s25] =	ssyncset.done $0x0  }
0x37: {  	s29 =	simm.s32 $0x4B0;
	[sflag:s25] =	ssyncadd.s32 $0xFFFF9C00  }
0x38: {  	[tilespmem:s16], [sflag:$0x3] =	stream.indirect.gather [hbm4b:s2+s12], $0x80, s29, s12, $0xb8;
	[tilespmem:$0x1F400] =	vst v63  }
0x39: {  	_ =	swait.ge [sflag:s17], $0x6400  }
0x3a: {  	[sflag:s17] =	ssyncset.done $0x0  }
0x3b: {  	s29 =	sadd.s32 $0xC80, s10;
	[sflag:s17] =	ssyncadd.s32 $0xFFFF9C00  }
0x3c: {  	[hbm4b:s29+s3] =	stream.linear.scatter [tilespmem:s13], [sflag:$0x5], $0x6400, $0x38;
	[tilespmem:$0x1F400] =	vst v63  }
0x3d: {  	_ =	swait.ge [sflag:s26], $0x6400  }
0x3e: {  	[sflag:s26] =	ssyncset.done $0x0  }
0x3f: {  	s29 =	simm.s32 $0x578;
	[sflag:s26] =	ssyncadd.s32 $0xFFFF9C00  }
0x40: {  	[tilespmem:s19], [sflag:$0x4] =	stream.indirect.gather [hbm4b:s2+s12], $0x80, s29, s12, $0xb8;
	[tilespmem:$0x1F400] =	vst v63  }
0x41: {  	_ =	swait.ge [sflag:s20], $0x6400  }
0x42: {  	s31 =	sadd.s32 $0x1900, s10;
	[sflag:s20] =	ssyncset.done $0x0  }
0x43: {  	s30 =	sadd.s32 $0x3200, s10;
	s29 =	simm.s32 $0xC80;
	[sflag:s20] =	ssyncadd.s32 $0xFFFF9C00  }
.LBB2_2:
0x44: {  	[hbm4b:s31+s3] =	stream.linear.scatter [tilespmem:s14], [sflag:$0x6], $0x6400, $0x38;
	[tilespmem:$0x1F400] =	vst v63  }
0x45: {  	s31 =	smov.u32 s29  }
0x46: {  	p0 =	sne.s32 s29, $0x17700;
	s29 =	sadd.s32 $0xC80, s29;
	_ =	swait.ge [sflag:s21], $0x6400  }
0x47: {  	s31 =	sshra.s32 s31, $0x2;
	[sflag:s21] =	ssyncset.done $0x0  }
0x48: {  	s1 =	sadd.s32 $0x320, s31;
	[sflag:s21] =	ssyncadd.s32 $0xFFFF9C00  }
0x49: {  	[tilespmem:s13], [sflag:$0x1] =	stream.indirect.gather [hbm4b:s2+s12], $0x80, s1, s12, $0xb8;
	[tilespmem:$0x1F400] =	vst v63  }
0x4a: {  	_ =	swait.ge [sflag:s22], $0x6400  }
0x4b: {  	[sflag:s22] =	ssyncset.done $0x0  }
0x4c: {  	s1 =	sadd.s32 $0xFFFFF380, s30;
	[sflag:s22] =	ssyncadd.s32 $0xFFFF9C00  }
0x4d: {  	[hbm4b:s1+s3] =	stream.linear.scatter [tilespmem:s16], [sflag:$0x7], $0x6400, $0x38;
	[tilespmem:$0x1F400] =	vst v63  }
0x4e: {  	_ =	swait.ge [sflag:s23], $0x6400  }
0x4f: {  	[sflag:s23] =	ssyncset.done $0x0  }
0x50: {  	s1 =	sadd.s32 $0x3E8, s31;
	[sflag:s23] =	ssyncadd.s32 $0xFFFF9C00  }
0x51: {  	[tilespmem:s14], [sflag:$0x2] =	stream.indirect.gather [hbm4b:s2+s12], $0x80, s1, s12, $0xb8;
	[tilespmem:$0x1F400] =	vst v63  }
0x52: {  	_ =	swait.ge [sflag:s24], $0x6400  }
0x53: {  	[sflag:s24] =	ssyncset.done $0x0  }
0x54: {  	[sflag:s24] =	ssyncadd.s32 $0xFFFF9C00  }
0x55: {  	[hbm4b:s30+s3] =	stream.linear.scatter [tilespmem:s19], [sflag:$0x8], $0x6400, $0x38;
	[tilespmem:$0x1F400] =	vst v63  }
0x56: {  	_ =	swait.ge [sflag:s25], $0x6400  }
0x57: {  	[sflag:s25] =	ssyncset.done $0x0  }
0x58: {  	s1 =	sadd.s32 $0x4B0, s31;
	[sflag:s25] =	ssyncadd.s32 $0xFFFF9C00  }
0x59: {  	[tilespmem:s16], [sflag:$0x3] =	stream.indirect.gather [hbm4b:s2+s12], $0x80, s1, s12, $0xb8;
	[tilespmem:$0x1F400] =	vst v63  }
0x5a: {  	_ =	swait.ge [sflag:s17], $0x6400  }
0x5b: {  	[sflag:s17] =	ssyncset.done $0x0  }
0x5c: {  	s1 =	sadd.s32 $0xC80, s30;
	[sflag:s17] =	ssyncadd.s32 $0xFFFF9C00  }
0x5d: {  	[hbm4b:s1+s3] =	stream.linear.scatter [tilespmem:s13], [sflag:$0x5], $0x6400, $0x38;
	[tilespmem:$0x1F400] =	vst v63  }
0x5e: {  	_ =	swait.ge [sflag:s26], $0x6400  }
0x5f: {  	[sflag:s26] =	ssyncset.done $0x0  }
.Ltmp0:
0x60: {  	s1 =	sadd.s32 $0x578, s31;
	[sflag:s26] =	ssyncadd.s32 $0xFFFF9C00;
	(pc) =	sbr.rel @p0 .LBB2_2-.Ltmp0, $4  }
0x61: {  	[tilespmem:s19], [sflag:$0x4] =	stream.indirect.gather [hbm4b:s2+s12], $0x80, s1, s12, $0xb8;
	[tilespmem:$0x1F400] =	vst v63  }
0x62: {  	_ =	swait.ge [sflag:s20], $0x6400  }
0x63: {  	[sflag:s20] =	ssyncset.done $0x0  }
0x64: {  	s31 =	sadd.s32 $0x1900, s30;
	s30 =	sadd.s32 $0x3200, s30;
	[sflag:s20] =	ssyncadd.s32 $0xFFFF9C00  }
0x65: {  	[hbm4b:s31+s3] =	stream.linear.scatter [tilespmem:s14], [sflag:$0x6], $0x6400, $0x38;
	[tilespmem:$0x1F400] =	vst v63  }
0x66: {  	_ =	swait.ge [sflag:s22], $0x6400  }
0x67: {  	[sflag:s22] =	ssyncset.done $0x0  }
0x68: {  	[sflag:s22] =	ssyncadd.s32 $0xFFFF9C00  }
0x69: {  	[hbm4b:s7+s3] =	stream.linear.scatter [tilespmem:s16], [sflag:$0x7], $0x6400, $0x38;
	[tilespmem:$0x1F400] =	vst v63  }
0x6a: {  	_ =	swait.ge [sflag:s24], $0x6400  }
0x6b: {  	[sflag:s24] =	ssyncset.done $0x0  }
0x6c: {  	[sflag:s24] =	ssyncadd.s32 $0xFFFF9C00  }
0x6d: {  	[hbm4b:s8+s3] =	stream.linear.scatter [tilespmem:s19], [sflag:$0x8], $0x6400, $0x38;
	[tilespmem:$0x1F400] =	vst v63  }
0x6e: {  	_ =	swait.ge [sflag:s21], $0x6400  }
0x6f: {  	[sflag:s21] =	ssyncset.done $0x0  }
0x70: {  	[sflag:s21] =	ssyncadd.s32 $0xFFFF9C00  }
0x71: {  	_ =	swait.ge [sflag:s23], $0x6400  }
0x72: {  	[sflag:s23] =	ssyncset.done $0x0  }
0x73: {  	s28 =	sadd.s32 $0x1, s28;
	[sflag:s23] =	ssyncadd.s32 $0xFFFF9C00  }
0x74: {  	p0 =	sne.s32 s28, s9;
	_ =	swait.ge [sflag:s25], $0x6400  }
.Ltmp1:
0x75: {  	[sflag:s25] =	ssyncset.done $0x0;
	(pc) =	sbr.rel @p0 .LBB2_1-.Ltmp1, $4  }
0x76: {  	[sflag:s25] =	ssyncadd.s32 $0xFFFF9C00  }
0x77: {  	_ =	swait.ge [sflag:s26], $0x6400  }
0x78: {  	[sflag:s26] =	ssyncset.done $0x0  }
0x79: {  	[sflag:s26] =	ssyncadd.s32 $0xFFFF9C00  }
0x7a: {  	_ =	sfence.sel $0x180000  }
0x7b: {  	[bflag:$0x0] =	sbarrier.arrive $0xFFFF  }
0x7c: {  	_ =	strace $0x90000047  }
0x7d: {  	[bflag:$0x2] =	sbarrier.arrive $0xFFFF  }
0x7e: {  	p0 =	sne.s32 s0, $0x0;
	s0 =	rddreg [dreg:$0x3]  }
0x7f: {  	s0 =	sadd.s32 @!p0 $0x100000, s0  }
0x80: {  	[sflag:s0] =	ssyncadd.tile.s32 @!p0 $0x1;
	_ =	shalt  }
.Lfunc_end2:
_tile_overlayer_lowered:
.L_overlay_start_2:
0x81: {  	(tag) =	ssettag $0x2  }
0x82: {  	s0 =	rddreg [dreg:$0x0];
	s2 =	stileid.u32  }
0x83: {  	s1 =	rddreg [dreg:$0x1];
	p0 =	sne.s32 s2, $0x0  }
0x84: {  	s3 =	rddreg [dreg:$0x2];
	[bflag:$0x3] =	sbarrier.arrive $0xFFFF;
	s2 =	simm.s32 @!p0 $0x1C09  }
0x85: {  	[timem:s3], [sflag:s2] =	dma.local @!p0 [hbm:s0], s1  }
0x86: {  	s0 =	simm.s32 @!p0 $0x9  }
0x87: {  	_ =	swait.ge @!p0 [sflag:s0], s1  }
0x88: {  	s1 =	ssub.s32 @!p0 $0x0, s1;
	[sflag:s0] =	ssyncset.done @!p0 $0x0  }
0x89: {  	[sflag:s0] =	ssyncadd.s32 @!p0 s1  }
0x8a: {  	[bflag:$0x3] =	sbarrier.arrive $0xFFFF  }
0x8b: {  	_ =	shalt  }

</sc_bundles>
